<compile_context>
chip_gen: v7x
topology: tpu7x:2x2x1
jax: 0.10.2.dev20260603
libtpu: 0.0.44.dev20260713+nightly
codegen_flags: <defaults>
</compile_context>

<pallas_src>
import functools

import jax
import jax.numpy as jnp
from jax import lax
from jax.experimental import pallas as pl
from jax.experimental.pallas import tpu as pltpu
from jax.experimental.pallas import tpu_sc as plsc

B = 4096
SEQ = 200
E = 64
C = 100
NC = 2
NS = 16
NW = NC * NS
BPW = B // NW
CHUNK = 100
NCHUNK = BPW * (SEQ // CHUNK)
NBUF = 4
NSUPER = NCHUNK // NBUF
LANES = 16


@functools.partial(
    pl.kernel,
    out_type=jax.ShapeDtypeStruct((B, E), jnp.float32),
    mesh=plsc.VectorSubcoreMesh(core_axis_name="c", subcore_axis_name="s"),
    scratch_types=[
        pltpu.VMEM((NCHUNK, CHUNK), jnp.int32),
        pltpu.VMEM((NBUF, CHUNK, E), jnp.float32),
        pltpu.VMEM((BPW, E), jnp.float32),
        pltpu.SemaphoreType.DMA,
        pltpu.SemaphoreType.DMA,
        pltpu.SemaphoreType.DMA,
        pltpu.SemaphoreType.DMA,
    ],
    compiler_params=pltpu.CompilerParams(use_tc_tiling_on_sc=False),
)
def _sc_pool(ids_hbm, table_hbm, out_hbm, idx_v, bufs, pooled_v,
             sem0, sem1, sem2, sem3):
    sems = (sem0, sem1, sem2, sem3)
    wid = lax.axis_index("s") * NC + lax.axis_index("c")
    pltpu.sync_copy(ids_hbm.at[wid], idx_v)

    def start(c, k):
        pltpu.make_async_copy(
            table_hbm.at[idx_v.at[c]], bufs.at[k], sems[k]).start()

    def wait(c, k):
        pltpu.make_async_copy(
            table_hbm.at[idx_v.at[c]], bufs.at[k], sems[k]).wait()

    def reduce_chunk(k, acc):
        buf = bufs.at[k]

        def body(j, a):
            return (a[0] + buf[j, pl.ds(0, LANES)],
                    a[1] + buf[j, pl.ds(LANES, LANES)],
                    a[2] + buf[j, pl.ds(2 * LANES, LANES)],
                    a[3] + buf[j, pl.ds(3 * LANES, LANES)])

        return lax.fori_loop(0, CHUNK, body, acc, unroll=4)

    for k in range(NBUF):
        start(k, k)

    zero = jnp.zeros((LANES,), jnp.float32)

    def super_body(s, carry):
        c0 = NBUF * s
        for half in range(2):
            acc = (zero, zero, zero, zero)
            for kk in range(2):
                k = 2 * half + kk
                c = c0 + k
                wait(c, k)

                @pl.when(s < NSUPER - 1)
                def _():
                    start(c + NBUF, k)

                acc = reduce_chunk(k, acc)
            r = 2 * s + half
            pooled_v[r, pl.ds(0, LANES)] = acc[0]
            pooled_v[r, pl.ds(LANES, LANES)] = acc[1]
            pooled_v[r, pl.ds(2 * LANES, LANES)] = acc[2]
            pooled_v[r, pl.ds(3 * LANES, LANES)] = acc[3]
        return carry

    lax.fori_loop(0, NSUPER, super_body, 0)
    pltpu.sync_copy(pooled_v, out_hbm.at[pl.ds(wid * BPW, BPW)])


TRB = 16384


def _tr_body(src_ref, dst_ref):
    dst_ref[...] = src_ref[...].T


_tc_transpose = pl.pallas_call(
    _tr_body,
    grid=(pl.cdiv(1000000, TRB),),
    in_specs=[pl.BlockSpec((E, TRB), lambda i: (0, i))],
    out_specs=pl.BlockSpec((TRB, E), lambda i: (i, 0)),
    out_shape=jax.ShapeDtypeStruct((1000000, E), jnp.float32),
)


def _tc_head_body(sums_ref, w_ref, b_ref, labels_ref, loss_ref, logits_ref):
    x = sums_ref[...] * (1.0 / SEQ)
    logits = lax.dot_general(
        x, w_ref[...], (((1,), (1,)), ((), ())),
        preferred_element_type=jnp.float32) + b_ref[...]
    logits_ref[...] = logits
    m = jnp.max(logits, axis=1, keepdims=True)
    logz = jnp.log(jnp.sum(jnp.exp(logits - m), axis=1, keepdims=True)) + m
    cols = lax.broadcasted_iota(jnp.int32, (B, C), 1)
    gold = jnp.sum(jnp.where(cols == labels_ref[...], logits, 0.0),
                   axis=1, keepdims=True)
    loss_ref[0, 0] = jnp.mean(logz - gold)


_tc_head = pl.pallas_call(
    _tc_head_body,
    out_shape=(jax.ShapeDtypeStruct((1, 1), jnp.float32),
               jax.ShapeDtypeStruct((B, C), jnp.float32)),
    out_specs=(pl.BlockSpec(memory_space=pltpu.SMEM),
               pl.BlockSpec(memory_space=pltpu.VMEM)),
)


def kernel(emb_table, W, b, input_ids, labels):
    ids = input_ids.astype(jnp.int32).reshape(NW, NCHUNK, CHUNK)
    table_rm = _tc_transpose(emb_table.T)
    sums = _sc_pool(ids, table_rm)
    loss2, logits = _tc_head(sums, W, b.reshape(1, C),
                             labels.astype(jnp.int32).reshape(B, 1))
    return (loss2[0, 0], logits)

# --- scband reference (transcript-rebuilt; emitter-appended) ---
"""Pipeline reference for scband-tc-69801808495415 (READ-ONLY COPY).

The authoritative reference and input builder live on the scoring server;
editing this copy changes nothing except your own understanding.
"""

import jax, jax.numpy as jnp
import numpy as np

VOCAB = 1000000
EMBED = 64
NUM_CLASSES = 100
BATCH = 4096
SEQ = 200


def setup_inputs(seed: int = 0) -> dict:
    key = jax.random.key(seed)
    k1, k2, k3, k4, k5 = jax.random.split(key, 5)
    input_ids = jax.random.randint(k1, (BATCH, SEQ), 0, VOCAB, dtype=jnp.int64 if jax.config.jax_enable_x64 else jnp.int32)
    labels = jax.random.randint(k2, (BATCH,), 0, NUM_CLASSES, dtype=jnp.int64 if jax.config.jax_enable_x64 else jnp.int32)
    emb_table = jax.random.normal(k3, (VOCAB, EMBED), dtype=jnp.float32)
    W = jax.random.normal(k4, (NUM_CLASSES, EMBED), dtype=jnp.float32) * (1.0 / np.sqrt(EMBED))
    b = jax.random.normal(k5, (NUM_CLASSES,), dtype=jnp.float32) * 0.01
    return {"emb_table": emb_table, "W": W, "b": b, "input_ids": input_ids, "labels": labels}


def reference(emb_table, W, b, input_ids, labels):
    # nn.Embedding lookup: [B, L] -> [B, L, E]
    x = jnp.take(emb_table, input_ids, axis=0)
    # TC_base: permute(0,2,1) -> AdaptiveAvgPool1d(1) -> squeeze == mean over seq dim
    pooled = jnp.mean(x, axis=1)  # [B, E]
    # Linear classifier
    logits = pooled @ W.T + b  # [B, C]
    # CrossEntropyLoss (mean reduction)
    logZ = jax.nn.logsumexp(logits, axis=-1)
    gold = jnp.take_along_axis(logits, labels[:, None].astype(jnp.int32), axis=-1)[:, 0]
    loss = jnp.mean(logZ - gold)
    return (loss, logits)

if __name__ == "__main__":
    import jax
    _d = setup_inputs()
    print(jax.jit(kernel)(*tuple(_d.values())))

</pallas_src>

<mosaic_0001>
#map = affine_map<(d0, d1) -> (0, 0, 0)>
#map1 = affine_map<(d0, d1) -> (0, 0)>
module attributes {stable_mosaic.version = 14 : i64} {
  func.func @_sc_pool(%arg0: i32, %arg1: i32, %arg2: memref<32x256x100xi32, #tpu.memory_space<hbm>>, %arg3: memref<1000000x64xf32, #tpu.memory_space<hbm>>, %arg4: memref<4096x64xf32, #tpu.memory_space<hbm>>, %arg5: memref<256x100xi32, #tpu.memory_space<vmem>>, %arg6: memref<4x100x64xf32, #tpu.memory_space<vmem>>, %arg7: memref<128x64xf32, #tpu.memory_space<vmem>>, %arg8: memref<!tpu.dma_semaphore, #tpu.memory_space<semaphore_mem>>, %arg9: memref<!tpu.dma_semaphore, #tpu.memory_space<semaphore_mem>>, %arg10: memref<!tpu.dma_semaphore, #tpu.memory_space<semaphore_mem>>, %arg11: memref<!tpu.dma_semaphore, #tpu.memory_space<semaphore_mem>>) attributes {dimension_semantics = [#tpu.dimension_semantics<core_parallel>, #tpu.dimension_semantics<subcore_parallel>], iteration_bounds = array<i64: 2, 16>, scalar_prefetch = 0 : i64, scratch_operands = 7 : i64, tpu.core_type = #tpu.core_type<sc_vector_subcore>, window_params = [{transform_indices = #map}, {transform_indices = #map1}, {transform_indices = #map1}]} {
    %mul3A = arith.constant 2 : i32
    %mul3A_0 = arith.muli %arg1, %mul3A : i32
    %add3A = arith.addi %mul3A_0, %arg0 : i32
    "tpu.region"() ({
      %run_scoped3A = tpu.sem_alloc : memref<!tpu.dma_semaphore, #tpu.memory_space<semaphore_mem>>
      %dma_start3A_56 = arith.constant 0 : i32
      %dma_start3A_57 = arith.constant 0 : i32
      %dma_start3A_58 = tpu.memref_slice %arg2[%add3A, %dma_start3A_56, %dma_start3A_57] : memref<32x256x100xi32, #tpu.memory_space<hbm>> -> memref<1x256x100xi32, #tpu.memory_space<hbm>>
      %dma_start3A_59 = tpu.memref_squeeze %dma_start3A_58 : memref<1x256x100xi32, #tpu.memory_space<hbm>> -> memref<256x100xi32, #tpu.memory_space<hbm>>
      %dma_start3A_60 = arith.constant 0 : i32
      %dma_start3A_61 = arith.constant 0 : i32
      %dma_start3A_62 = tpu.memref_slice %arg2[%add3A, %dma_start3A_60, %dma_start3A_61] : memref<32x256x100xi32, #tpu.memory_space<hbm>> -> memref<1x256x100xi32, #tpu.memory_space<hbm>>
      %dma_start3A_63 = tpu.memref_squeeze %dma_start3A_62 : memref<1x256x100xi32, #tpu.memory_space<hbm>> -> memref<256x100xi32, #tpu.memory_space<hbm>>
      tpu.enqueue_dma source(%dma_start3A_63 : memref<256x100xi32, #tpu.memory_space<hbm>>) target(%arg5 : memref<256x100xi32, #tpu.memory_space<vmem>>) target_semaphore(%run_scoped3A : memref<!tpu.dma_semaphore, #tpu.memory_space<semaphore_mem>>)
      %dma_wait3A = arith.constant 0 : i32
      %dma_wait3A_64 = arith.constant 0 : i32
      %dma_wait3A_65 = tpu.memref_slice %arg2[%add3A, %dma_wait3A, %dma_wait3A_64] : memref<32x256x100xi32, #tpu.memory_space<hbm>> -> memref<1x256x100xi32, #tpu.memory_space<hbm>>
      %dma_wait3A_66 = tpu.memref_squeeze %dma_wait3A_65 : memref<1x256x100xi32, #tpu.memory_space<hbm>> -> memref<256x100xi32, #tpu.memory_space<hbm>>
      %dma_wait3A_67 = arith.constant 0 : i32
      %dma_wait3A_68 = arith.constant 0 : i32
      %dma_wait3A_69 = tpu.memref_slice %arg2[%add3A, %dma_wait3A_67, %dma_wait3A_68] : memref<32x256x100xi32, #tpu.memory_space<hbm>> -> memref<1x256x100xi32, #tpu.memory_space<hbm>>
      %dma_wait3A_70 = tpu.memref_squeeze %dma_wait3A_69 : memref<1x256x100xi32, #tpu.memory_space<hbm>> -> memref<256x100xi32, #tpu.memory_space<hbm>>
      tpu.wait_dma2 semaphore(%run_scoped3A : memref<!tpu.dma_semaphore, #tpu.memory_space<semaphore_mem>>) src(%dma_wait3A_70 : memref<256x100xi32, #tpu.memory_space<hbm>>) dst(%arg5 : memref<256x100xi32, #tpu.memory_space<vmem>>)
      tpu.yield
    }) : () -> ()
    %dma_start3A = arith.constant 0 : i32
    %dma_start3A_1 = arith.constant 0 : i32
    %dma_start3A_2 = arith.constant 0 : i32
    %dma_start3A_3 = arith.constant 0 : i32
    %dma_start3A_4 = tpu.memref_slice %arg6[%dma_start3A_1, %dma_start3A_2, %dma_start3A_3] : memref<4x100x64xf32, #tpu.memory_space<vmem>> -> memref<1x100x64xf32, #tpu.memory_space<vmem>>
    %dma_start3A_5 = tpu.memref_squeeze %dma_start3A_4 : memref<1x100x64xf32, #tpu.memory_space<vmem>> -> memref<100x64xf32, #tpu.memory_space<vmem>>
    %dma_start3A_6 = arith.constant 0 : i32
    %dma_start3A_7 = tpu.memref_slice %arg5[%dma_start3A, %dma_start3A_6] : memref<256x100xi32, #tpu.memory_space<vmem>> -> memref<1x100xi32, #tpu.memory_space<vmem>>
    %dma_start3A_8 = tpu.memref_squeeze %dma_start3A_7 : memref<1x100xi32, #tpu.memory_space<vmem>> -> memref<100xi32, #tpu.memory_space<vmem>>
    %dma_start3A_9 = arith.constant 0 : i32
    %dma_start3A_10 = arith.constant 0 : i32
    %dma_start3A_11 = tpu.memref_slice %arg3[%dma_start3A_9, %dma_start3A_10] : memref<1000000x64xf32, #tpu.memory_space<hbm>> -> memref<1000000x64xf32, #tpu.memory_space<hbm>>
    tpu.enqueue_indirect_dma source(%dma_start3A_11 : memref<1000000x64xf32, #tpu.memory_space<hbm>>) target(%dma_start3A_5 : memref<100x64xf32, #tpu.memory_space<vmem>>) offsets(%dma_start3A_8 : memref<100xi32, #tpu.memory_space<vmem>>) semaphore(%arg8 : memref<!tpu.dma_semaphore, #tpu.memory_space<semaphore_mem>>)
    %dma_start3A_12 = arith.constant 1 : i32
    %dma_start3A_13 = arith.constant 1 : i32
    %dma_start3A_14 = arith.constant 0 : i32
    %dma_start3A_15 = arith.constant 0 : i32
    %dma_start3A_16 = tpu.memref_slice %arg6[%dma_start3A_13, %dma_start3A_14, %dma_start3A_15] : memref<4x100x64xf32, #tpu.memory_space<vmem>> -> memref<1x100x64xf32, #tpu.memory_space<vmem>>
    %dma_start3A_17 = tpu.memref_squeeze %dma_start3A_16 : memref<1x100x64xf32, #tpu.memory_space<vmem>> -> memref<100x64xf32, #tpu.memory_space<vmem>>
    %dma_start3A_18 = arith.constant 0 : i32
    %dma_start3A_19 = tpu.memref_slice %arg5[%dma_start3A_12, %dma_start3A_18] : memref<256x100xi32, #tpu.memory_space<vmem>> -> memref<1x100xi32, #tpu.memory_space<vmem>>
    %dma_start3A_20 = tpu.memref_squeeze %dma_start3A_19 : memref<1x100xi32, #tpu.memory_space<vmem>> -> memref<100xi32, #tpu.memory_space<vmem>>
    %dma_start3A_21 = arith.constant 0 : i32
    %dma_start3A_22 = arith.constant 0 : i32
    %dma_start3A_23 = tpu.memref_slice %arg3[%dma_start3A_21, %dma_start3A_22] : memref<1000000x64xf32, #tpu.memory_space<hbm>> -> memref<1000000x64xf32, #tpu.memory_space<hbm>>
    tpu.enqueue_indirect_dma source(%dma_start3A_23 : memref<1000000x64xf32, #tpu.memory_space<hbm>>) target(%dma_start3A_17 : memref<100x64xf32, #tpu.memory_space<vmem>>) offsets(%dma_start3A_20 : memref<100xi32, #tpu.memory_space<vmem>>) semaphore(%arg9 : memref<!tpu.dma_semaphore, #tpu.memory_space<semaphore_mem>>)
    %dma_start3A_24 = arith.constant 2 : i32
    %dma_start3A_25 = arith.constant 2 : i32
    %dma_start3A_26 = arith.constant 0 : i32
    %dma_start3A_27 = arith.constant 0 : i32
    %dma_start3A_28 = tpu.memref_slice %arg6[%dma_start3A_25, %dma_start3A_26, %dma_start3A_27] : memref<4x100x64xf32, #tpu.memory_space<vmem>> -> memref<1x100x64xf32, #tpu.memory_space<vmem>>
    %dma_start3A_29 = tpu.memref_squeeze %dma_start3A_28 : memref<1x100x64xf32, #tpu.memory_space<vmem>> -> memref<100x64xf32, #tpu.memory_space<vmem>>
    %dma_start3A_30 = arith.constant 0 : i32
    %dma_start3A_31 = tpu.memref_slice %arg5[%dma_start3A_24, %dma_start3A_30] : memref<256x100xi32, #tpu.memory_space<vmem>> -> memref<1x100xi32, #tpu.memory_space<vmem>>
    %dma_start3A_32 = tpu.memref_squeeze %dma_start3A_31 : memref<1x100xi32, #tpu.memory_space<vmem>> -> memref<100xi32, #tpu.memory_space<vmem>>
    %dma_start3A_33 = arith.constant 0 : i32
    %dma_start3A_34 = arith.constant 0 : i32
    %dma_start3A_35 = tpu.memref_slice %arg3[%dma_start3A_33, %dma_start3A_34] : memref<1000000x64xf32, #tpu.memory_space<hbm>> -> memref<1000000x64xf32, #tpu.memory_space<hbm>>
    tpu.enqueue_indirect_dma source(%dma_start3A_35 : memref<1000000x64xf32, #tpu.memory_space<hbm>>) target(%dma_start3A_29 : memref<100x64xf32, #tpu.memory_space<vmem>>) offsets(%dma_start3A_32 : memref<100xi32, #tpu.memory_space<vmem>>) semaphore(%arg10 : memref<!tpu.dma_semaphore, #tpu.memory_space<semaphore_mem>>)
    %dma_start3A_36 = arith.constant 3 : i32
    %dma_start3A_37 = arith.constant 3 : i32
    %dma_start3A_38 = arith.constant 0 : i32
    %dma_start3A_39 = arith.constant 0 : i32
    %dma_start3A_40 = tpu.memref_slice %arg6[%dma_start3A_37, %dma_start3A_38, %dma_start3A_39] : memref<4x100x64xf32, #tpu.memory_space<vmem>> -> memref<1x100x64xf32, #tpu.memory_space<vmem>>
    %dma_start3A_41 = tpu.memref_squeeze %dma_start3A_40 : memref<1x100x64xf32, #tpu.memory_space<vmem>> -> memref<100x64xf32, #tpu.memory_space<vmem>>
    %dma_start3A_42 = arith.constant 0 : i32
    %dma_start3A_43 = tpu.memref_slice %arg5[%dma_start3A_36, %dma_start3A_42] : memref<256x100xi32, #tpu.memory_space<vmem>> -> memref<1x100xi32, #tpu.memory_space<vmem>>
    %dma_start3A_44 = tpu.memref_squeeze %dma_start3A_43 : memref<1x100xi32, #tpu.memory_space<vmem>> -> memref<100xi32, #tpu.memory_space<vmem>>
    %dma_start3A_45 = arith.constant 0 : i32
    %dma_start3A_46 = arith.constant 0 : i32
    %dma_start3A_47 = tpu.memref_slice %arg3[%dma_start3A_45, %dma_start3A_46] : memref<1000000x64xf32, #tpu.memory_space<hbm>> -> memref<1000000x64xf32, #tpu.memory_space<hbm>>
    tpu.enqueue_indirect_dma source(%dma_start3A_47 : memref<1000000x64xf32, #tpu.memory_space<hbm>>) target(%dma_start3A_41 : memref<100x64xf32, #tpu.memory_space<vmem>>) offsets(%dma_start3A_44 : memref<100xi32, #tpu.memory_space<vmem>>) semaphore(%arg11 : memref<!tpu.dma_semaphore, #tpu.memory_space<semaphore_mem>>)
    %broadcast_in_dim3A = arith.constant 0.000000e+00 : f32
    %broadcast_in_dim3A_48 = vector.broadcast %broadcast_in_dim3A : f32 to vector<16xf32>
    %scan3A = arith.constant 0 : i32
    %scan3A_49 = arith.constant 0 : i32
    %scan3A_50 = arith.constant 64 : i32
    %scan3A_51 = arith.addi %scan3A_49, %scan3A_50 : i32
    %scan3A_52 = arith.constant 1 : i32
    scf.for %scan3A_56 = %scan3A_49 to %scan3A_51 step %scan3A_52  : i32 {
      %mul3A_57 = arith.constant 4 : i32
      %mul3A_58 = arith.muli %mul3A_57, %scan3A_56 : i32
      %add3A_59 = arith.constant 0 : i32
      %add3A_60 = arith.addi %mul3A_58, %add3A_59 : i32
      %dma_wait3A = arith.constant 0 : i32
      %dma_wait3A_61 = arith.constant 0 : i32
      %dma_wait3A_62 = arith.constant 0 : i32
      %dma_wait3A_63 = tpu.memref_slice %arg6[%dma_wait3A, %dma_wait3A_61, %dma_wait3A_62] : memref<4x100x64xf32, #tpu.memory_space<vmem>> -> memref<1x100x64xf32, #tpu.memory_space<vmem>>
      %dma_wait3A_64 = tpu.memref_squeeze %dma_wait3A_63 : memref<1x100x64xf32, #tpu.memory_space<vmem>> -> memref<100x64xf32, #tpu.memory_space<vmem>>
      %dma_wait3A_65 = arith.constant 0 : i32
      %dma_wait3A_66 = tpu.memref_slice %arg5[%add3A_60, %dma_wait3A_65] : memref<256x100xi32, #tpu.memory_space<vmem>> -> memref<1x100xi32, #tpu.memory_space<vmem>>
      %dma_wait3A_67 = tpu.memref_squeeze %dma_wait3A_66 : memref<1x100xi32, #tpu.memory_space<vmem>> -> memref<100xi32, #tpu.memory_space<vmem>>
      %dma_wait3A_68 = arith.constant 0 : i32
      %dma_wait3A_69 = arith.constant 0 : i32
      %dma_wait3A_70 = tpu.memref_slice %arg3[%dma_wait3A_68, %dma_wait3A_69] : memref<1000000x64xf32, #tpu.memory_space<hbm>> -> memref<1000000x64xf32, #tpu.memory_space<hbm>>
      tpu.wait_indirect_dma semaphore(%arg8 : memref<!tpu.dma_semaphore, #tpu.memory_space<semaphore_mem>>) src(%dma_wait3A_70 : memref<1000000x64xf32, #tpu.memory_space<hbm>>) dst(%dma_wait3A_64 : memref<100x64xf32, #tpu.memory_space<vmem>>)
      %lt3A = arith.constant 63 : i32
      %lt3A_71 = arith.cmpi slt, %scan3A_56, %lt3A : i32
      %convert_element_type3A = arith.extui %lt3A_71 : i1 to i32
      %cond3A = arith.constant 0 : i32
      %cond3A_72 = arith.cmpi ne, %convert_element_type3A, %cond3A : i32
      scf.if %cond3A_72 {
        %add3A_202 = arith.constant 4 : i32
        %add3A_203 = arith.addi %add3A_60, %add3A_202 : i32
        %dma_start3A_204 = arith.constant 0 : i32
        %dma_start3A_205 = arith.constant 0 : i32
        %dma_start3A_206 = arith.constant 0 : i32
        %dma_start3A_207 = tpu.memref_slice %arg6[%dma_start3A_204, %dma_start3A_205, %dma_start3A_206] : memref<4x100x64xf32, #tpu.memory_space<vmem>> -> memref<1x100x64xf32, #tpu.memory_space<vmem>>
        %dma_start3A_208 = tpu.memref_squeeze %dma_start3A_207 : memref<1x100x64xf32, #tpu.memory_space<vmem>> -> memref<100x64xf32, #tpu.memory_space<vmem>>
        %dma_start3A_209 = arith.constant 0 : i32
        %dma_start3A_210 = tpu.memref_slice %arg5[%add3A_203, %dma_start3A_209] : memref<256x100xi32, #tpu.memory_space<vmem>> -> memref<1x100xi32, #tpu.memory_space<vmem>>
        %dma_start3A_211 = tpu.memref_squeeze %dma_start3A_210 : memref<1x100xi32, #tpu.memory_space<vmem>> -> memref<100xi32, #tpu.memory_space<vmem>>
        %dma_start3A_212 = arith.constant 0 : i32
        %dma_start3A_213 = arith.constant 0 : i32
        %dma_start3A_214 = tpu.memref_slice %arg3[%dma_start3A_212, %dma_start3A_213] : memref<1000000x64xf32, #tpu.memory_space<hbm>> -> memref<1000000x64xf32, #tpu.memory_space<hbm>>
        tpu.enqueue_indirect_dma source(%dma_start3A_214 : memref<1000000x64xf32, #tpu.memory_space<hbm>>) target(%dma_start3A_208 : memref<100x64xf32, #tpu.memory_space<vmem>>) offsets(%dma_start3A_211 : memref<100xi32, #tpu.memory_space<vmem>>) semaphore(%arg8 : memref<!tpu.dma_semaphore, #tpu.memory_space<semaphore_mem>>)
      } else {
      }
      %scan3A_73 = arith.constant 0 : i32
      %scan3A_74 = arith.constant 0 : i32
      %scan3A_75 = arith.constant 100 : i32
      %scan3A_76 = arith.addi %scan3A_74, %scan3A_75 : i32
      %scan3A_77 = arith.constant 4 : i32
      %scan3A_78:4 = scf.for %scan3A_202 = %scan3A_74 to %scan3A_76 step %scan3A_77 iter_args(%scan3A_203 = %broadcast_in_dim3A_48, %scan3A_204 = %broadcast_in_dim3A_48, %scan3A_205 = %broadcast_in_dim3A_48, %scan3A_206 = %broadcast_in_dim3A_48) -> (vector<16xf32>, vector<16xf32>, vector<16xf32>, vector<16xf32>)  : i32 {
        %get3A = arith.constant 0 : i32
        %get3A_207 = arith.constant 0 : i32
        %get3A_208 = tpu.memref_slice %arg6[%scan3A_73, %get3A, %get3A_207] : memref<4x100x64xf32, #tpu.memory_space<vmem>> -> memref<1x100x64xf32, #tpu.memory_space<vmem>>
        %get3A_209 = tpu.memref_squeeze %get3A_208 : memref<1x100x64xf32, #tpu.memory_space<vmem>> -> memref<100x64xf32, #tpu.memory_space<vmem>>
        %get3A_210 = arith.index_cast %scan3A_202 : i32 to index
        %get3A_211 = arith.constant 0 : index
        %get3A_212 = tpu.vector_load %get3A_209[%get3A_210, %get3A_211] {strides = array<i32>} : memref<100x64xf32, #tpu.memory_space<vmem>>, vector<1x16xf32>,
        %get3A_213 = vector.shape_cast %get3A_212 : vector<1x16xf32> to vector<16xf32>
        %add3A_214 = arith.addf %scan3A_203, %get3A_213 : vector<16xf32>
        %get3A_215 = arith.constant 0 : i32
        %get3A_216 = arith.constant 0 : i32
        %get3A_217 = tpu.memref_slice %arg6[%scan3A_73, %get3A_215, %get3A_216] : memref<4x100x64xf32, #tpu.memory_space<vmem>> -> memref<1x100x64xf32, #tpu.memory_space<vmem>>
        %get3A_218 = tpu.memref_squeeze %get3A_217 : memref<1x100x64xf32, #tpu.memory_space<vmem>> -> memref<100x64xf32, #tpu.memory_space<vmem>>
        %get3A_219 = arith.index_cast %scan3A_202 : i32 to index
        %get3A_220 = arith.constant 16 : index
        %get3A_221 = tpu.vector_load %get3A_218[%get3A_219, %get3A_220] {strides = array<i32>} : memref<100x64xf32, #tpu.memory_space<vmem>>, vector<1x16xf32>,
        %get3A_222 = vector.shape_cast %get3A_221 : vector<1x16xf32> to vector<16xf32>
        %add3A_223 = arith.addf %scan3A_204, %get3A_222 : vector<16xf32>
        %get3A_224 = arith.constant 0 : i32
        %get3A_225 = arith.constant 0 : i32
        %get3A_226 = tpu.memref_slice %arg6[%scan3A_73, %get3A_224, %get3A_225] : memref<4x100x64xf32, #tpu.memory_space<vmem>> -> memref<1x100x64xf32, #tpu.memory_space<vmem>>
        %get3A_227 = tpu.memref_squeeze %get3A_226 : memref<1x100x64xf32, #tpu.memory_space<vmem>> -> memref<100x64xf32, #tpu.memory_space<vmem>>
        %get3A_228 = arith.index_cast %scan3A_202 : i32 to index
        %get3A_229 = arith.constant 32 : index
        %get3A_230 = tpu.vector_load %get3A_227[%get3A_228, %get3A_229] {strides = array<i32>} : memref<100x64xf32, #tpu.memory_space<vmem>>, vector<1x16xf32>,
        %get3A_231 = vector.shape_cast %get3A_230 : vector<1x16xf32> to vector<16xf32>
        %add3A_232 = arith.addf %scan3A_205, %get3A_231 : vector<16xf32>
        %get3A_233 = arith.constant 0 : i32
        %get3A_234 = arith.constant 0 : i32
        %get3A_235 = tpu.memref_slice %arg6[%scan3A_73, %get3A_233, %get3A_234] : memref<4x100x64xf32, #tpu.memory_space<vmem>> -> memref<1x100x64xf32, #tpu.memory_space<vmem>>
        %get3A_236 = tpu.memref_squeeze %get3A_235 : memref<1x100x64xf32, #tpu.memory_space<vmem>> -> memref<100x64xf32, #tpu.memory_space<vmem>>
        %get3A_237 = arith.index_cast %scan3A_202 : i32 to index
        %get3A_238 = arith.constant 48 : index
        %get3A_239 = tpu.vector_load %get3A_236[%get3A_237, %get3A_238] {strides = array<i32>} : memref<100x64xf32, #tpu.memory_space<vmem>>, vector<1x16xf32>,
        %get3A_240 = vector.shape_cast %get3A_239 : vector<1x16xf32> to vector<16xf32>
        %add3A_241 = arith.addf %scan3A_206, %get3A_240 : vector<16xf32>
        %scan3A_242 = arith.constant 1 : i32
        %scan3A_243 = arith.addi %scan3A_202, %scan3A_242 : i32
        %get3A_244 = arith.constant 0 : i32
        %get3A_245 = arith.constant 0 : i32
        %get3A_246 = tpu.memref_slice %arg6[%scan3A_73, %get3A_244, %get3A_245] : memref<4x100x64xf32, #tpu.memory_space<vmem>> -> memref<1x100x64xf32, #tpu.memory_space<vmem>>
        %get3A_247 = tpu.memref_squeeze %get3A_246 : memref<1x100x64xf32, #tpu.memory_space<vmem>> -> memref<100x64xf32, #tpu.memory_space<vmem>>
        %get3A_248 = arith.index_cast %scan3A_243 : i32 to index
        %get3A_249 = arith.constant 0 : index
        %get3A_250 = tpu.vector_load %get3A_247[%get3A_248, %get3A_249] {strides = array<i32>} : memref<100x64xf32, #tpu.memory_space<vmem>>, vector<1x16xf32>,
        %get3A_251 = vector.shape_cast %get3A_250 : vector<1x16xf32> to vector<16xf32>
        %add3A_252 = arith.addf %add3A_214, %get3A_251 : vector<16xf32>
        %get3A_253 = arith.constant 0 : i32
        %get3A_254 = arith.constant 0 : i32
        %get3A_255 = tpu.memref_slice %arg6[%scan3A_73, %get3A_253, %get3A_254] : memref<4x100x64xf32, #tpu.memory_space<vmem>> -> memref<1x100x64xf32, #tpu.memory_space<vmem>>
        %get3A_256 = tpu.memref_squeeze %get3A_255 : memref<1x100x64xf32, #tpu.memory_space<vmem>> -> memref<100x64xf32, #tpu.memory_space<vmem>>
        %get3A_257 = arith.index_cast %scan3A_243 : i32 to index
        %get3A_258 = arith.constant 16 : index
        %get3A_259 = tpu.vector_load %get3A_256[%get3A_257, %get3A_258] {strides = array<i32>} : memref<100x64xf32, #tpu.memory_space<vmem>>, vector<1x16xf32>,
        %get3A_260 = vector.shape_cast %get3A_259 : vector<1x16xf32> to vector<16xf32>
        %add3A_261 = arith.addf %add3A_223, %get3A_260 : vector<16xf32>
        %get3A_262 = arith.constant 0 : i32
        %get3A_263 = arith.constant 0 : i32
        %get3A_264 = tpu.memref_slice %arg6[%scan3A_73, %get3A_262, %get3A_263] : memref<4x100x64xf32, #tpu.memory_space<vmem>> -> memref<1x100x64xf32, #tpu.memory_space<vmem>>
        %get3A_265 = tpu.memref_squeeze %get3A_264 : memref<1x100x64xf32, #tpu.memory_space<vmem>> -> memref<100x64xf32, #tpu.memory_space<vmem>>
        %get3A_266 = arith.index_cast %scan3A_243 : i32 to index
        %get3A_267 = arith.constant 32 : index
        %get3A_268 = tpu.vector_load %get3A_265[%get3A_266, %get3A_267] {strides = array<i32>} : memref<100x64xf32, #tpu.memory_space<vmem>>, vector<1x16xf32>,
        %get3A_269 = vector.shape_cast %get3A_268 : vector<1x16xf32> to vector<16xf32>
        %add3A_270 = arith.addf %add3A_232, %get3A_269 : vector<16xf32>
        %get3A_271 = arith.constant 0 : i32
        %get3A_272 = arith.constant 0 : i32
        %get3A_273 = tpu.memref_slice %arg6[%scan3A_73, %get3A_271, %get3A_272] : memref<4x100x64xf32, #tpu.memory_space<vmem>> -> memref<1x100x64xf32, #tpu.memory_space<vmem>>
        %get3A_274 = tpu.memref_squeeze %get3A_273 : memref<1x100x64xf32, #tpu.memory_space<vmem>> -> memref<100x64xf32, #tpu.memory_space<vmem>>
        %get3A_275 = arith.index_cast %scan3A_243 : i32 to index
        %get3A_276 = arith.constant 48 : index
        %get3A_277 = tpu.vector_load %get3A_274[%get3A_275, %get3A_276] {strides = array<i32>} : memref<100x64xf32, #tpu.memory_space<vmem>>, vector<1x16xf32>,
        %get3A_278 = vector.shape_cast %get3A_277 : vector<1x16xf32> to vector<16xf32>
        %add3A_279 = arith.addf %add3A_241, %get3A_278 : vector<16xf32>
        %scan3A_280 = arith.constant 2 : i32
        %scan3A_281 = arith.addi %scan3A_202, %scan3A_280 : i32
        %get3A_282 = arith.constant 0 : i32
        %get3A_283 = arith.constant 0 : i32
        %get3A_284 = tpu.memref_slice %arg6[%scan3A_73, %get3A_282, %get3A_283] : memref<4x100x64xf32, #tpu.memory_space<vmem>> -> memref<1x100x64xf32, #tpu.memory_space<vmem>>
        %get3A_285 = tpu.memref_squeeze %get3A_284 : memref<1x100x64xf32, #tpu.memory_space<vmem>> -> memref<100x64xf32, #tpu.memory_space<vmem>>
        %get3A_286 = arith.index_cast %scan3A_281 : i32 to index
        %get3A_287 = arith.constant 0 : index
        %get3A_288 = tpu.vector_load %get3A_285[%get3A_286, %get3A_287] {strides = array<i32>} : memref<100x64xf32, #tpu.memory_space<vmem>>, vector<1x16xf32>,
        %get3A_289 = vector.shape_cast %get3A_288 : vector<1x16xf32> to vector<16xf32>
        %add3A_290 = arith.addf %add3A_252, %get3A_289 : vector<16xf32>
        %get3A_291 = arith.constant 0 : i32
        %get3A_292 = arith.constant 0 : i32
        %get3A_293 = tpu.memref_slice %arg6[%scan3A_73, %get3A_291, %get3A_292] : memref<4x100x64xf32, #tpu.memory_space<vmem>> -> memref<1x100x64xf32, #tpu.memory_space<vmem>>
        %get3A_294 = tpu.memref_squeeze %get3A_293 : memref<1x100x64xf32, #tpu.memory_space<vmem>> -> memref<100x64xf32, #tpu.memory_space<vmem>>
        %get3A_295 = arith.index_cast %scan3A_281 : i32 to index
        %get3A_296 = arith.constant 16 : index
        %get3A_297 = tpu.vector_load %get3A_294[%get3A_295, %get3A_296] {strides = array<i32>} : memref<100x64xf32, #tpu.memory_space<vmem>>, vector<1x16xf32>,
        %get3A_298 = vector.shape_cast %get3A_297 : vector<1x16xf32> to vector<16xf32>
        %add3A_299 = arith.addf %add3A_261, %get3A_298 : vector<16xf32>
        %get3A_300 = arith.constant 0 : i32
        %get3A_301 = arith.constant 0 : i32
        %get3A_302 = tpu.memref_slice %arg6[%scan3A_73, %get3A_300, %get3A_301] : memref<4x100x64xf32, #tpu.memory_space<vmem>> -> memref<1x100x64xf32, #tpu.memory_space<vmem>>
        %get3A_303 = tpu.memref_squeeze %get3A_302 : memref<1x100x64xf32, #tpu.memory_space<vmem>> -> memref<100x64xf32, #tpu.memory_space<vmem>>
        %get3A_304 = arith.index_cast %scan3A_281 : i32 to index
        %get3A_305 = arith.constant 32 : index
        %get3A_306 = tpu.vector_load %get3A_303[%get3A_304, %get3A_305] {strides = array<i32>} : memref<100x64xf32, #tpu.memory_space<vmem>>, vector<1x16xf32>,
        %get3A_307 = vector.shape_cast %get3A_306 : vector<1x16xf32> to vector<16xf32>
        %add3A_308 = arith.addf %add3A_270, %get3A_307 : vector<16xf32>
        %get3A_309 = arith.constant 0 : i32
        %get3A_310 = arith.constant 0 : i32
        %get3A_311 = tpu.memref_slice %arg6[%scan3A_73, %get3A_309, %get3A_310] : memref<4x100x64xf32, #tpu.memory_space<vmem>> -> memref<1x100x64xf32, #tpu.memory_space<vmem>>
        %get3A_312 = tpu.memref_squeeze %get3A_311 : memref<1x100x64xf32, #tpu.memory_space<vmem>> -> memref<100x64xf32, #tpu.memory_space<vmem>>
        %get3A_313 = arith.index_cast %scan3A_281 : i32 to index
        %get3A_314 = arith.constant 48 : index
        %get3A_315 = tpu.vector_load %get3A_312[%get3A_313, %get3A_314] {strides = array<i32>} : memref<100x64xf32, #tpu.memory_space<vmem>>, vector<1x16xf32>,
        %get3A_316 = vector.shape_cast %get3A_315 : vector<1x16xf32> to vector<16xf32>
        %add3A_317 = arith.addf %add3A_279, %get3A_316 : vector<16xf32>
        %scan3A_318 = arith.constant 3 : i32
        %scan3A_319 = arith.addi %scan3A_202, %scan3A_318 : i32
        %get3A_320 = arith.constant 0 : i32
        %get3A_321 = arith.constant 0 : i32
        %get3A_322 = tpu.memref_slice %arg6[%scan3A_73, %get3A_320, %get3A_321] : memref<4x100x64xf32, #tpu.memory_space<vmem>> -> memref<1x100x64xf32, #tpu.memory_space<vmem>>
        %get3A_323 = tpu.memref_squeeze %get3A_322 : memref<1x100x64xf32, #tpu.memory_space<vmem>> -> memref<100x64xf32, #tpu.memory_space<vmem>>
        %get3A_324 = arith.index_cast %scan3A_319 : i32 to index
        %get3A_325 = arith.constant 0 : index
        %get3A_326 = tpu.vector_load %get3A_323[%get3A_324, %get3A_325] {strides = array<i32>} : memref<100x64xf32, #tpu.memory_space<vmem>>, vector<1x16xf32>,
        %get3A_327 = vector.shape_cast %get3A_326 : vector<1x16xf32> to vector<16xf32>
        %add3A_328 = arith.addf %add3A_290, %get3A_327 : vector<16xf32>
        %get3A_329 = arith.constant 0 : i32
        %get3A_330 = arith.constant 0 : i32
        %get3A_331 = tpu.memref_slice %arg6[%scan3A_73, %get3A_329, %get3A_330] : memref<4x100x64xf32, #tpu.memory_space<vmem>> -> memref<1x100x64xf32, #tpu.memory_space<vmem>>
        %get3A_332 = tpu.memref_squeeze %get3A_331 : memref<1x100x64xf32, #tpu.memory_space<vmem>> -> memref<100x64xf32, #tpu.memory_space<vmem>>
        %get3A_333 = arith.index_cast %scan3A_319 : i32 to index
        %get3A_334 = arith.constant 16 : index
        %get3A_335 = tpu.vector_load %get3A_332[%get3A_333, %get3A_334] {strides = array<i32>} : memref<100x64xf32, #tpu.memory_space<vmem>>, vector<1x16xf32>,
        %get3A_336 = vector.shape_cast %get3A_335 : vector<1x16xf32> to vector<16xf32>
        %add3A_337 = arith.addf %add3A_299, %get3A_336 : vector<16xf32>
        %get3A_338 = arith.constant 0 : i32
        %get3A_339 = arith.constant 0 : i32
        %get3A_340 = tpu.memref_slice %arg6[%scan3A_73, %get3A_338, %get3A_339] : memref<4x100x64xf32, #tpu.memory_space<vmem>> -> memref<1x100x64xf32, #tpu.memory_space<vmem>>
        %get3A_341 = tpu.memref_squeeze %get3A_340 : memref<1x100x64xf32, #tpu.memory_space<vmem>> -> memref<100x64xf32, #tpu.memory_space<vmem>>
        %get3A_342 = arith.index_cast %scan3A_319 : i32 to index
        %get3A_343 = arith.constant 32 : index
        %get3A_344 = tpu.vector_load %get3A_341[%get3A_342, %get3A_343] {strides = array<i32>} : memref<100x64xf32, #tpu.memory_space<vmem>>, vector<1x16xf32>,
        %get3A_345 = vector.shape_cast %get3A_344 : vector<1x16xf32> to vector<16xf32>
        %add3A_346 = arith.addf %add3A_308, %get3A_345 : vector<16xf32>
        %get3A_347 = arith.constant 0 : i32
        %get3A_348 = arith.constant 0 : i32
        %get3A_349 = tpu.memref_slice %arg6[%scan3A_73, %get3A_347, %get3A_348] : memref<4x100x64xf32, #tpu.memory_space<vmem>> -> memref<1x100x64xf32, #tpu.memory_space<vmem>>
        %get3A_350 = tpu.memref_squeeze %get3A_349 : memref<1x100x64xf32, #tpu.memory_space<vmem>> -> memref<100x64xf32, #tpu.memory_space<vmem>>
        %get3A_351 = arith.index_cast %scan3A_319 : i32 to index
        %get3A_352 = arith.constant 48 : index
        %get3A_353 = tpu.vector_load %get3A_350[%get3A_351, %get3A_352] {strides = array<i32>} : memref<100x64xf32, #tpu.memory_space<vmem>>, vector<1x16xf32>,
        %get3A_354 = vector.shape_cast %get3A_353 : vector<1x16xf32> to vector<16xf32>
        %add3A_355 = arith.addf %add3A_317, %get3A_354 : vector<16xf32>
        scf.yield %add3A_328, %add3A_337, %add3A_346, %add3A_355 : vector<16xf32>, vector<16xf32>, vector<16xf32>, vector<16xf32>
      }
      %scan3A_79 = arith.constant 100 : i32
      %add3A_80 = arith.constant 1 : i32
      %add3A_81 = arith.addi %mul3A_58, %add3A_80 : i32
      %dma_wait3A_82 = arith.constant 1 : i32
      %dma_wait3A_83 = arith.constant 0 : i32
      %dma_wait3A_84 = arith.constant 0 : i32
      %dma_wait3A_85 = tpu.memref_slice %arg6[%dma_wait3A_82, %dma_wait3A_83, %dma_wait3A_84] : memref<4x100x64xf32, #tpu.memory_space<vmem>> -> memref<1x100x64xf32, #tpu.memory_space<vmem>>
      %dma_wait3A_86 = tpu.memref_squeeze %dma_wait3A_85 : memref<1x100x64xf32, #tpu.memory_space<vmem>> -> memref<100x64xf32, #tpu.memory_space<vmem>>
      %dma_wait3A_87 = arith.constant 0 : i32
      %dma_wait3A_88 = tpu.memref_slice %arg5[%add3A_81, %dma_wait3A_87] : memref<256x100xi32, #tpu.memory_space<vmem>> -> memref<1x100xi32, #tpu.memory_space<vmem>>
      %dma_wait3A_89 = tpu.memref_squeeze %dma_wait3A_88 : memref<1x100xi32, #tpu.memory_space<vmem>> -> memref<100xi32, #tpu.memory_space<vmem>>
      %dma_wait3A_90 = arith.constant 0 : i32
      %dma_wait3A_91 = arith.constant 0 : i32
      %dma_wait3A_92 = tpu.memref_slice %arg3[%dma_wait3A_90, %dma_wait3A_91] : memref<1000000x64xf32, #tpu.memory_space<hbm>> -> memref<1000000x64xf32, #tpu.memory_space<hbm>>
      tpu.wait_indirect_dma semaphore(%arg9 : memref<!tpu.dma_semaphore, #tpu.memory_space<semaphore_mem>>) src(%dma_wait3A_92 : memref<1000000x64xf32, #tpu.memory_space<hbm>>) dst(%dma_wait3A_86 : memref<100x64xf32, #tpu.memory_space<vmem>>)
      %lt3A_93 = arith.constant 63 : i32
      %lt3A_94 = arith.cmpi slt, %scan3A_56, %lt3A_93 : i32
      %convert_element_type3A_95 = arith.extui %lt3A_94 : i1 to i32
      %cond3A_96 = arith.constant 0 : i32
      %cond3A_97 = arith.cmpi ne, %convert_element_type3A_95, %cond3A_96 : i32
      scf.if %cond3A_97 {
        %add3A_202 = arith.constant 4 : i32
        %add3A_203 = arith.addi %add3A_81, %add3A_202 : i32
        %dma_start3A_204 = arith.constant 1 : i32
        %dma_start3A_205 = arith.constant 0 : i32
        %dma_start3A_206 = arith.constant 0 : i32
        %dma_start3A_207 = tpu.memref_slice %arg6[%dma_start3A_204, %dma_start3A_205, %dma_start3A_206] : memref<4x100x64xf32, #tpu.memory_space<vmem>> -> memref<1x100x64xf32, #tpu.memory_space<vmem>>
        %dma_start3A_208 = tpu.memref_squeeze %dma_start3A_207 : memref<1x100x64xf32, #tpu.memory_space<vmem>> -> memref<100x64xf32, #tpu.memory_space<vmem>>
        %dma_start3A_209 = arith.constant 0 : i32
        %dma_start3A_210 = tpu.memref_slice %arg5[%add3A_203, %dma_start3A_209] : memref<256x100xi32, #tpu.memory_space<vmem>> -> memref<1x100xi32, #tpu.memory_space<vmem>>
        %dma_start3A_211 = tpu.memref_squeeze %dma_start3A_210 : memref<1x100xi32, #tpu.memory_space<vmem>> -> memref<100xi32, #tpu.memory_space<vmem>>
        %dma_start3A_212 = arith.constant 0 : i32
        %dma_start3A_213 = arith.constant 0 : i32
        %dma_start3A_214 = tpu.memref_slice %arg3[%dma_start3A_212, %dma_start3A_213] : memref<1000000x64xf32, #tpu.memory_space<hbm>> -> memref<1000000x64xf32, #tpu.memory_space<hbm>>
        tpu.enqueue_indirect_dma source(%dma_start3A_214 : memref<1000000x64xf32, #tpu.memory_space<hbm>>) target(%dma_start3A_208 : memref<100x64xf32, #tpu.memory_space<vmem>>) offsets(%dma_start3A_211 : memref<100xi32, #tpu.memory_space<vmem>>) semaphore(%arg9 : memref<!tpu.dma_semaphore, #tpu.memory_space<semaphore_mem>>)
      } else {
      }
      %scan3A_98 = arith.constant 1 : i32
      %scan3A_99 = arith.constant 0 : i32
      %scan3A_100 = arith.constant 100 : i32
      %scan3A_101 = arith.addi %scan3A_99, %scan3A_100 : i32
      %scan3A_102 = arith.constant 4 : i32
      %scan3A_103:4 = scf.for %scan3A_202 = %scan3A_99 to %scan3A_101 step %scan3A_102 iter_args(%scan3A_203 = %scan3A_78#0, %scan3A_204 = %scan3A_78#1, %scan3A_205 = %scan3A_78#2, %scan3A_206 = %scan3A_78#3) -> (vector<16xf32>, vector<16xf32>, vector<16xf32>, vector<16xf32>)  : i32 {
        %get3A = arith.constant 0 : i32
        %get3A_207 = arith.constant 0 : i32
        %get3A_208 = tpu.memref_slice %arg6[%scan3A_98, %get3A, %get3A_207] : memref<4x100x64xf32, #tpu.memory_space<vmem>> -> memref<1x100x64xf32, #tpu.memory_space<vmem>>
        %get3A_209 = tpu.memref_squeeze %get3A_208 : memref<1x100x64xf32, #tpu.memory_space<vmem>> -> memref<100x64xf32, #tpu.memory_space<vmem>>
        %get3A_210 = arith.index_cast %scan3A_202 : i32 to index
        %get3A_211 = arith.constant 0 : index
        %get3A_212 = tpu.vector_load %get3A_209[%get3A_210, %get3A_211] {strides = array<i32>} : memref<100x64xf32, #tpu.memory_space<vmem>>, vector<1x16xf32>,
        %get3A_213 = vector.shape_cast %get3A_212 : vector<1x16xf32> to vector<16xf32>
        %add3A_214 = arith.addf %scan3A_203, %get3A_213 : vector<16xf32>
        %get3A_215 = arith.constant 0 : i32
        %get3A_216 = arith.constant 0 : i32
        %get3A_217 = tpu.memref_slice %arg6[%scan3A_98, %get3A_215, %get3A_216] : memref<4x100x64xf32, #tpu.memory_space<vmem>> -> memref<1x100x64xf32, #tpu.memory_space<vmem>>
        %get3A_218 = tpu.memref_squeeze %get3A_217 : memref<1x100x64xf32, #tpu.memory_space<vmem>> -> memref<100x64xf32, #tpu.memory_space<vmem>>
        %get3A_219 = arith.index_cast %scan3A_202 : i32 to index
        %get3A_220 = arith.constant 16 : index
        %get3A_221 = tpu.vector_load %get3A_218[%get3A_219, %get3A_220] {strides = array<i32>} : memref<100x64xf32, #tpu.memory_space<vmem>>, vector<1x16xf32>,
        %get3A_222 = vector.shape_cast %get3A_221 : vector<1x16xf32> to vector<16xf32>
        %add3A_223 = arith.addf %scan3A_204, %get3A_222 : vector<16xf32>
        %get3A_224 = arith.constant 0 : i32
        %get3A_225 = arith.constant 0 : i32
        %get3A_226 = tpu.memref_slice %arg6[%scan3A_98, %get3A_224, %get3A_225] : memref<4x100x64xf32, #tpu.memory_space<vmem>> -> memref<1x100x64xf32, #tpu.memory_space<vmem>>
        %get3A_227 = tpu.memref_squeeze %get3A_226 : memref<1x100x64xf32, #tpu.memory_space<vmem>> -> memref<100x64xf32, #tpu.memory_space<vmem>>
        %get3A_228 = arith.index_cast %scan3A_202 : i32 to index
        %get3A_229 = arith.constant 32 : index
        %get3A_230 = tpu.vector_load %get3A_227[%get3A_228, %get3A_229] {strides = array<i32>} : memref<100x64xf32, #tpu.memory_space<vmem>>, vector<1x16xf32>,
        %get3A_231 = vector.shape_cast %get3A_230 : vector<1x16xf32> to vector<16xf32>
        %add3A_232 = arith.addf %scan3A_205, %get3A_231 : vector<16xf32>
        %get3A_233 = arith.constant 0 : i32
        %get3A_234 = arith.constant 0 : i32
        %get3A_235 = tpu.memref_slice %arg6[%scan3A_98, %get3A_233, %get3A_234] : memref<4x100x64xf32, #tpu.memory_space<vmem>> -> memref<1x100x64xf32, #tpu.memory_space<vmem>>
        %get3A_236 = tpu.memref_squeeze %get3A_235 : memref<1x100x64xf32, #tpu.memory_space<vmem>> -> memref<100x64xf32, #tpu.memory_space<vmem>>
        %get3A_237 = arith.index_cast %scan3A_202 : i32 to index
        %get3A_238 = arith.constant 48 : index
        %get3A_239 = tpu.vector_load %get3A_236[%get3A_237, %get3A_238] {strides = array<i32>} : memref<100x64xf32, #tpu.memory_space<vmem>>, vector<1x16xf32>,
        %get3A_240 = vector.shape_cast %get3A_239 : vector<1x16xf32> to vector<16xf32>
        %add3A_241 = arith.addf %scan3A_206, %get3A_240 : vector<16xf32>
        %scan3A_242 = arith.constant 1 : i32
        %scan3A_243 = arith.addi %scan3A_202, %scan3A_242 : i32
        %get3A_244 = arith.constant 0 : i32
        %get3A_245 = arith.constant 0 : i32
        %get3A_246 = tpu.memref_slice %arg6[%scan3A_98, %get3A_244, %get3A_245] : memref<4x100x64xf32, #tpu.memory_space<vmem>> -> memref<1x100x64xf32, #tpu.memory_space<vmem>>
        %get3A_247 = tpu.memref_squeeze %get3A_246 : memref<1x100x64xf32, #tpu.memory_space<vmem>> -> memref<100x64xf32, #tpu.memory_space<vmem>>
        %get3A_248 = arith.index_cast %scan3A_243 : i32 to index
        %get3A_249 = arith.constant 0 : index
        %get3A_250 = tpu.vector_load %get3A_247[%get3A_248, %get3A_249] {strides = array<i32>} : memref<100x64xf32, #tpu.memory_space<vmem>>, vector<1x16xf32>,
        %get3A_251 = vector.shape_cast %get3A_250 : vector<1x16xf32> to vector<16xf32>
        %add3A_252 = arith.addf %add3A_214, %get3A_251 : vector<16xf32>
        %get3A_253 = arith.constant 0 : i32
        %get3A_254 = arith.constant 0 : i32
        %get3A_255 = tpu.memref_slice %arg6[%scan3A_98, %get3A_253, %get3A_254] : memref<4x100x64xf32, #tpu.memory_space<vmem>> -> memref<1x100x64xf32, #tpu.memory_space<vmem>>
        %get3A_256 = tpu.memref_squeeze %get3A_255 : memref<1x100x64xf32, #tpu.memory_space<vmem>> -> memref<100x64xf32, #tpu.memory_space<vmem>>
        %get3A_257 = arith.index_cast %scan3A_243 : i32 to index
        %get3A_258 = arith.constant 16 : index
        %get3A_259 = tpu.vector_load %get3A_256[%get3A_257, %get3A_258] {strides = array<i32>} : memref<100x64xf32, #tpu.memory_space<vmem>>, vector<1x16xf32>,
        %get3A_260 = vector.shape_cast %get3A_259 : vector<1x16xf32> to vector<16xf32>
        %add3A_261 = arith.addf %add3A_223, %get3A_260 : vector<16xf32>
        %get3A_262 = arith.constant 0 : i32
        %get3A_263 = arith.constant 0 : i32
        %get3A_264 = tpu.memref_slice %arg6[%scan3A_98, %get3A_262, %get3A_263] : memref<4x100x64xf32, #tpu.memory_space<vmem>> -> memref<1x100x64xf32, #tpu.memory_space<vmem>>
        %get3A_265 = tpu.memref_squeeze %get3A_264 : memref<1x100x64xf32, #tpu.memory_space<vmem>> -> memref<100x64xf32, #tpu.memory_space<vmem>>
        %get3A_266 = arith.index_cast %scan3A_243 : i32 to index
        %get3A_267 = arith.constant 32 : index
        %get3A_268 = tpu.vector_load %get3A_265[%get3A_266, %get3A_267] {strides = array<i32>} : memref<100x64xf32, #tpu.memory_space<vmem>>, vector<1x16xf32>,
        %get3A_269 = vector.shape_cast %get3A_268 : vector<1x16xf32> to vector<16xf32>
        %add3A_270 = arith.addf %add3A_232, %get3A_269 : vector<16xf32>
        %get3A_271 = arith.constant 0 : i32
        %get3A_272 = arith.constant 0 : i32
        %get3A_273 = tpu.memref_slice %arg6[%scan3A_98, %get3A_271, %get3A_272] : memref<4x100x64xf32, #tpu.memory_space<vmem>> -> memref<1x100x64xf32, #tpu.memory_space<vmem>>
        %get3A_274 = tpu.memref_squeeze %get3A_273 : memref<1x100x64xf32, #tpu.memory_space<vmem>> -> memref<100x64xf32, #tpu.memory_space<vmem>>
        %get3A_275 = arith.index_cast %scan3A_243 : i32 to index
        %get3A_276 = arith.constant 48 : index
        %get3A_277 = tpu.vector_load %get3A_274[%get3A_275, %get3A_276] {strides = array<i32>} : memref<100x64xf32, #tpu.memory_space<vmem>>, vector<1x16xf32>,
        %get3A_278 = vector.shape_cast %get3A_277 : vector<1x16xf32> to vector<16xf32>
        %add3A_279 = arith.addf %add3A_241, %get3A_278 : vector<16xf32>
        %scan3A_280 = arith.constant 2 : i32
        %scan3A_281 = arith.addi %scan3A_202, %scan3A_280 : i32
        %get3A_282 = arith.constant 0 : i32
        %get3A_283 = arith.constant 0 : i32
        %get3A_284 = tpu.memref_slice %arg6[%scan3A_98, %get3A_282, %get3A_283] : memref<4x100x64xf32, #tpu.memory_space<vmem>> -> memref<1x100x64xf32, #tpu.memory_space<vmem>>
        %get3A_285 = tpu.memref_squeeze %get3A_284 : memref<1x100x64xf32, #tpu.memory_space<vmem>> -> memref<100x64xf32, #tpu.memory_space<vmem>>
        %get3A_286 = arith.index_cast %scan3A_281 : i32 to index
        %get3A_287 = arith.constant 0 : index
        %get3A_288 = tpu.vector_load %get3A_285[%get3A_286, %get3A_287] {strides = array<i32>} : memref<100x64xf32, #tpu.memory_space<vmem>>, vector<1x16xf32>,
        %get3A_289 = vector.shape_cast %get3A_288 : vector<1x16xf32> to vector<16xf32>
        %add3A_290 = arith.addf %add3A_252, %get3A_289 : vector<16xf32>
        %get3A_291 = arith.constant 0 : i32
        %get3A_292 = arith.constant 0 : i32
        %get3A_293 = tpu.memref_slice %arg6[%scan3A_98, %get3A_291, %get3A_292] : memref<4x100x64xf32, #tpu.memory_space<vmem>> -> memref<1x100x64xf32, #tpu.memory_space<vmem>>
        %get3A_294 = tpu.memref_squeeze %get3A_293 : memref<1x100x64xf32, #tpu.memory_space<vmem>> -> memref<100x64xf32, #tpu.memory_space<vmem>>
        %get3A_295 = arith.index_cast %scan3A_281 : i32 to index
        %get3A_296 = arith.constant 16 : index
        %get3A_297 = tpu.vector_load %get3A_294[%get3A_295, %get3A_296] {strides = array<i32>} : memref<100x64xf32, #tpu.memory_space<vmem>>, vector<1x16xf32>,
        %get3A_298 = vector.shape_cast %get3A_297 : vector<1x16xf32> to vector<16xf32>
        %add3A_299 = arith.addf %add3A_261, %get3A_298 : vector<16xf32>
        %get3A_300 = arith.constant 0 : i32
        %get3A_301 = arith.constant 0 : i32
        %get3A_302 = tpu.memref_slice %arg6[%scan3A_98, %get3A_300, %get3A_301] : memref<4x100x64xf32, #tpu.memory_space<vmem>> -> memref<1x100x64xf32, #tpu.memory_space<vmem>>
        %get3A_303 = tpu.memref_squeeze %get3A_302 : memref<1x100x64xf32, #tpu.memory_space<vmem>> -> memref<100x64xf32, #tpu.memory_space<vmem>>
        %get3A_304 = arith.index_cast %scan3A_281 : i32 to index
        %get3A_305 = arith.constant 32 : index
        %get3A_306 = tpu.vector_load %get3A_303[%get3A_304, %get3A_305] {strides = array<i32>} : memref<100x64xf32, #tpu.memory_space<vmem>>, vector<1x16xf32>,
        %get3A_307 = vector.shape_cast %get3A_306 : vector<1x16xf32> to vector<16xf32>
        %add3A_308 = arith.addf %add3A_270, %get3A_307 : vector<16xf32>
        %get3A_309 = arith.constant 0 : i32
        %get3A_310 = arith.constant 0 : i32
        %get3A_311 = tpu.memref_slice %arg6[%scan3A_98, %get3A_309, %get3A_310] : memref<4x100x64xf32, #tpu.memory_space<vmem>> -> memref<1x100x64xf32, #tpu.memory_space<vmem>>
        %get3A_312 = tpu.memref_squeeze %get3A_311 : memref<1x100x64xf32, #tpu.memory_space<vmem>> -> memref<100x64xf32, #tpu.memory_space<vmem>>
        %get3A_313 = arith.index_cast %scan3A_281 : i32 to index
        %get3A_314 = arith.constant 48 : index
        %get3A_315 = tpu.vector_load %get3A_312[%get3A_313, %get3A_314] {strides = array<i32>} : memref<100x64xf32, #tpu.memory_space<vmem>>, vector<1x16xf32>,
        %get3A_316 = vector.shape_cast %get3A_315 : vector<1x16xf32> to vector<16xf32>
        %add3A_317 = arith.addf %add3A_279, %get3A_316 : vector<16xf32>
        %scan3A_318 = arith.constant 3 : i32
        %scan3A_319 = arith.addi %scan3A_202, %scan3A_318 : i32
        %get3A_320 = arith.constant 0 : i32
        %get3A_321 = arith.constant 0 : i32
        %get3A_322 = tpu.memref_slice %arg6[%scan3A_98, %get3A_320, %get3A_321] : memref<4x100x64xf32, #tpu.memory_space<vmem>> -> memref<1x100x64xf32, #tpu.memory_space<vmem>>
        %get3A_323 = tpu.memref_squeeze %get3A_322 : memref<1x100x64xf32, #tpu.memory_space<vmem>> -> memref<100x64xf32, #tpu.memory_space<vmem>>
        %get3A_324 = arith.index_cast %scan3A_319 : i32 to index
        %get3A_325 = arith.constant 0 : index
        %get3A_326 = tpu.vector_load %get3A_323[%get3A_324, %get3A_325] {strides = array<i32>} : memref<100x64xf32, #tpu.memory_space<vmem>>, vector<1x16xf32>,
        %get3A_327 = vector.shape_cast %get3A_326 : vector<1x16xf32> to vector<16xf32>
        %add3A_328 = arith.addf %add3A_290, %get3A_327 : vector<16xf32>
        %get3A_329 = arith.constant 0 : i32
        %get3A_330 = arith.constant 0 : i32
        %get3A_331 = tpu.memref_slice %arg6[%scan3A_98, %get3A_329, %get3A_330] : memref<4x100x64xf32, #tpu.memory_space<vmem>> -> memref<1x100x64xf32, #tpu.memory_space<vmem>>
        %get3A_332 = tpu.memref_squeeze %get3A_331 : memref<1x100x64xf32, #tpu.memory_space<vmem>> -> memref<100x64xf32, #tpu.memory_space<vmem>>
        %get3A_333 = arith.index_cast %scan3A_319 : i32 to index
        %get3A_334 = arith.constant 16 : index
        %get3A_335 = tpu.vector_load %get3A_332[%get3A_333, %get3A_334] {strides = array<i32>} : memref<100x64xf32, #tpu.memory_space<vmem>>, vector<1x16xf32>,
        %get3A_336 = vector.shape_cast %get3A_335 : vector<1x16xf32> to vector<16xf32>
        %add3A_337 = arith.addf %add3A_299, %get3A_336 : vector<16xf32>
        %get3A_338 = arith.constant 0 : i32
        %get3A_339 = arith.constant 0 : i32
        %get3A_340 = tpu.memref_slice %arg6[%scan3A_98, %get3A_338, %get3A_339] : memref<4x100x64xf32, #tpu.memory_space<vmem>> -> memref<1x100x64xf32, #tpu.memory_space<vmem>>
        %get3A_341 = tpu.memref_squeeze %get3A_340 : memref<1x100x64xf32, #tpu.memory_space<vmem>> -> memref<100x64xf32, #tpu.memory_space<vmem>>
        %get3A_342 = arith.index_cast %scan3A_319 : i32 to index
        %get3A_343 = arith.constant 32 : index
        %get3A_344 = tpu.vector_load %get3A_341[%get3A_342, %get3A_343] {strides = array<i32>} : memref<100x64xf32, #tpu.memory_space<vmem>>, vector<1x16xf32>,
        %get3A_345 = vector.shape_cast %get3A_344 : vector<1x16xf32> to vector<16xf32>
        %add3A_346 = arith.addf %add3A_308, %get3A_345 : vector<16xf32>
        %get3A_347 = arith.constant 0 : i32
        %get3A_348 = arith.constant 0 : i32
        %get3A_349 = tpu.memref_slice %arg6[%scan3A_98, %get3A_347, %get3A_348] : memref<4x100x64xf32, #tpu.memory_space<vmem>> -> memref<1x100x64xf32, #tpu.memory_space<vmem>>
        %get3A_350 = tpu.memref_squeeze %get3A_349 : memref<1x100x64xf32, #tpu.memory_space<vmem>> -> memref<100x64xf32, #tpu.memory_space<vmem>>
        %get3A_351 = arith.index_cast %scan3A_319 : i32 to index
        %get3A_352 = arith.constant 48 : index
        %get3A_353 = tpu.vector_load %get3A_350[%get3A_351, %get3A_352] {strides = array<i32>} : memref<100x64xf32, #tpu.memory_space<vmem>>, vector<1x16xf32>,
        %get3A_354 = vector.shape_cast %get3A_353 : vector<1x16xf32> to vector<16xf32>
        %add3A_355 = arith.addf %add3A_317, %get3A_354 : vector<16xf32>
        scf.yield %add3A_328, %add3A_337, %add3A_346, %add3A_355 : vector<16xf32>, vector<16xf32>, vector<16xf32>, vector<16xf32>
      }
      %scan3A_104 = arith.constant 100 : i32
      %mul3A_105 = arith.constant 2 : i32
      %mul3A_106 = arith.muli %mul3A_105, %scan3A_56 : i32
      %add3A_107 = arith.constant 0 : i32
      %add3A_108 = arith.addi %mul3A_106, %add3A_107 : i32
      %swap3A = arith.index_cast %add3A_108 : i32 to index
      %swap3A_109 = arith.constant 0 : index
      %swap3A_110 = tpu.vector_load %arg7[%swap3A, %swap3A_109] {strides = array<i32>} : memref<128x64xf32, #tpu.memory_space<vmem>>, vector<1x16xf32>,
      %swap3A_111 = vector.shape_cast %swap3A_110 : vector<1x16xf32> to vector<16xf32>
      %swap3A_112 = vector.shape_cast %scan3A_103#0 : vector<16xf32> to vector<1x16xf32>
      tpu.vector_store %arg7[%swap3A, %swap3A_109], %swap3A_112 {strides = array<i32>} : memref<128x64xf32, #tpu.memory_space<vmem>>, vector<1x16xf32>,
      %swap3A_113 = arith.index_cast %add3A_108 : i32 to index
      %swap3A_114 = arith.constant 16 : index
      %swap3A_115 = tpu.vector_load %arg7[%swap3A_113, %swap3A_114] {strides = array<i32>} : memref<128x64xf32, #tpu.memory_space<vmem>>, vector<1x16xf32>,
      %swap3A_116 = vector.shape_cast %swap3A_115 : vector<1x16xf32> to vector<16xf32>
      %swap3A_117 = vector.shape_cast %scan3A_103#1 : vector<16xf32> to vector<1x16xf32>
      tpu.vector_store %arg7[%swap3A_113, %swap3A_114], %swap3A_117 {strides = array<i32>} : memref<128x64xf32, #tpu.memory_space<vmem>>, vector<1x16xf32>,
      %swap3A_118 = arith.index_cast %add3A_108 : i32 to index
      %swap3A_119 = arith.constant 32 : index
      %swap3A_120 = tpu.vector_load %arg7[%swap3A_118, %swap3A_119] {strides = array<i32>} : memref<128x64xf32, #tpu.memory_space<vmem>>, vector<1x16xf32>,
      %swap3A_121 = vector.shape_cast %swap3A_120 : vector<1x16xf32> to vector<16xf32>
      %swap3A_122 = vector.shape_cast %scan3A_103#2 : vector<16xf32> to vector<1x16xf32>
      tpu.vector_store %arg7[%swap3A_118, %swap3A_119], %swap3A_122 {strides = array<i32>} : memref<128x64xf32, #tpu.memory_space<vmem>>, vector<1x16xf32>,
      %swap3A_123 = arith.index_cast %add3A_108 : i32 to index
      %swap3A_124 = arith.constant 48 : index
      %swap3A_125 = tpu.vector_load %arg7[%swap3A_123, %swap3A_124] {strides = array<i32>} : memref<128x64xf32, #tpu.memory_space<vmem>>, vector<1x16xf32>,
      %swap3A_126 = vector.shape_cast %swap3A_125 : vector<1x16xf32> to vector<16xf32>
      %swap3A_127 = vector.shape_cast %scan3A_103#3 : vector<16xf32> to vector<1x16xf32>
      tpu.vector_store %arg7[%swap3A_123, %swap3A_124], %swap3A_127 {strides = array<i32>} : memref<128x64xf32, #tpu.memory_space<vmem>>, vector<1x16xf32>,
      %add3A_128 = arith.constant 2 : i32
      %add3A_129 = arith.addi %mul3A_58, %add3A_128 : i32
      %dma_wait3A_130 = arith.constant 2 : i32
      %dma_wait3A_131 = arith.constant 0 : i32
      %dma_wait3A_132 = arith.constant 0 : i32
      %dma_wait3A_133 = tpu.memref_slice %arg6[%dma_wait3A_130, %dma_wait3A_131, %dma_wait3A_132] : memref<4x100x64xf32, #tpu.memory_space<vmem>> -> memref<1x100x64xf32, #tpu.memory_space<vmem>>
      %dma_wait3A_134 = tpu.memref_squeeze %dma_wait3A_133 : memref<1x100x64xf32, #tpu.memory_space<vmem>> -> memref<100x64xf32, #tpu.memory_space<vmem>>
      %dma_wait3A_135 = arith.constant 0 : i32
      %dma_wait3A_136 = tpu.memref_slice %arg5[%add3A_129, %dma_wait3A_135] : memref<256x100xi32, #tpu.memory_space<vmem>> -> memref<1x100xi32, #tpu.memory_space<vmem>>
      %dma_wait3A_137 = tpu.memref_squeeze %dma_wait3A_136 : memref<1x100xi32, #tpu.memory_space<vmem>> -> memref<100xi32, #tpu.memory_space<vmem>>
      %dma_wait3A_138 = arith.constant 0 : i32
      %dma_wait3A_139 = arith.constant 0 : i32
      %dma_wait3A_140 = tpu.memref_slice %arg3[%dma_wait3A_138, %dma_wait3A_139] : memref<1000000x64xf32, #tpu.memory_space<hbm>> -> memref<1000000x64xf32, #tpu.memory_space<hbm>>
      tpu.wait_indirect_dma semaphore(%arg10 : memref<!tpu.dma_semaphore, #tpu.memory_space<semaphore_mem>>) src(%dma_wait3A_140 : memref<1000000x64xf32, #tpu.memory_space<hbm>>) dst(%dma_wait3A_134 : memref<100x64xf32, #tpu.memory_space<vmem>>)
      %lt3A_141 = arith.constant 63 : i32
      %lt3A_142 = arith.cmpi slt, %scan3A_56, %lt3A_141 : i32
      %convert_element_type3A_143 = arith.extui %lt3A_142 : i1 to i32
      %cond3A_144 = arith.constant 0 : i32
      %cond3A_145 = arith.cmpi ne, %convert_element_type3A_143, %cond3A_144 : i32
      scf.if %cond3A_145 {
        %add3A_202 = arith.constant 4 : i32
        %add3A_203 = arith.addi %add3A_129, %add3A_202 : i32
        %dma_start3A_204 = arith.constant 2 : i32
        %dma_start3A_205 = arith.constant 0 : i32
        %dma_start3A_206 = arith.constant 0 : i32
        %dma_start3A_207 = tpu.memref_slice %arg6[%dma_start3A_204, %dma_start3A_205, %dma_start3A_206] : memref<4x100x64xf32, #tpu.memory_space<vmem>> -> memref<1x100x64xf32, #tpu.memory_space<vmem>>
        %dma_start3A_208 = tpu.memref_squeeze %dma_start3A_207 : memref<1x100x64xf32, #tpu.memory_space<vmem>> -> memref<100x64xf32, #tpu.memory_space<vmem>>
        %dma_start3A_209 = arith.constant 0 : i32
        %dma_start3A_210 = tpu.memref_slice %arg5[%add3A_203, %dma_start3A_209] : memref<256x100xi32, #tpu.memory_space<vmem>> -> memref<1x100xi32, #tpu.memory_space<vmem>>
        %dma_start3A_211 = tpu.memref_squeeze %dma_start3A_210 : memref<1x100xi32, #tpu.memory_space<vmem>> -> memref<100xi32, #tpu.memory_space<vmem>>
        %dma_start3A_212 = arith.constant 0 : i32
        %dma_start3A_213 = arith.constant 0 : i32
        %dma_start3A_214 = tpu.memref_slice %arg3[%dma_start3A_212, %dma_start3A_213] : memref<1000000x64xf32, #tpu.memory_space<hbm>> -> memref<1000000x64xf32, #tpu.memory_space<hbm>>
        tpu.enqueue_indirect_dma source(%dma_start3A_214 : memref<1000000x64xf32, #tpu.memory_space<hbm>>) target(%dma_start3A_208 : memref<100x64xf32, #tpu.memory_space<vmem>>) offsets(%dma_start3A_211 : memref<100xi32, #tpu.memory_space<vmem>>) semaphore(%arg10 : memref<!tpu.dma_semaphore, #tpu.memory_space<semaphore_mem>>)
      } else {
      }
      %scan3A_146 = arith.constant 2 : i32
      %scan3A_147 = arith.constant 0 : i32
      %scan3A_148 = arith.constant 100 : i32
      %scan3A_149 = arith.addi %scan3A_147, %scan3A_148 : i32
      %scan3A_150 = arith.constant 4 : i32
      %scan3A_151:4 = scf.for %scan3A_202 = %scan3A_147 to %scan3A_149 step %scan3A_150 iter_args(%scan3A_203 = %broadcast_in_dim3A_48, %scan3A_204 = %broadcast_in_dim3A_48, %scan3A_205 = %broadcast_in_dim3A_48, %scan3A_206 = %broadcast_in_dim3A_48) -> (vector<16xf32>, vector<16xf32>, vector<16xf32>, vector<16xf32>)  : i32 {
        %get3A = arith.constant 0 : i32
        %get3A_207 = arith.constant 0 : i32
        %get3A_208 = tpu.memref_slice %arg6[%scan3A_146, %get3A, %get3A_207] : memref<4x100x64xf32, #tpu.memory_space<vmem>> -> memref<1x100x64xf32, #tpu.memory_space<vmem>>
        %get3A_209 = tpu.memref_squeeze %get3A_208 : memref<1x100x64xf32, #tpu.memory_space<vmem>> -> memref<100x64xf32, #tpu.memory_space<vmem>>
        %get3A_210 = arith.index_cast %scan3A_202 : i32 to index
        %get3A_211 = arith.constant 0 : index
        %get3A_212 = tpu.vector_load %get3A_209[%get3A_210, %get3A_211] {strides = array<i32>} : memref<100x64xf32, #tpu.memory_space<vmem>>, vector<1x16xf32>,
        %get3A_213 = vector.shape_cast %get3A_212 : vector<1x16xf32> to vector<16xf32>
        %add3A_214 = arith.addf %scan3A_203, %get3A_213 : vector<16xf32>
        %get3A_215 = arith.constant 0 : i32
        %get3A_216 = arith.constant 0 : i32
        %get3A_217 = tpu.memref_slice %arg6[%scan3A_146, %get3A_215, %get3A_216] : memref<4x100x64xf32, #tpu.memory_space<vmem>> -> memref<1x100x64xf32, #tpu.memory_space<vmem>>
        %get3A_218 = tpu.memref_squeeze %get3A_217 : memref<1x100x64xf32, #tpu.memory_space<vmem>> -> memref<100x64xf32, #tpu.memory_space<vmem>>
        %get3A_219 = arith.index_cast %scan3A_202 : i32 to index
        %get3A_220 = arith.constant 16 : index
        %get3A_221 = tpu.vector_load %get3A_218[%get3A_219, %get3A_220] {strides = array<i32>} : memref<100x64xf32, #tpu.memory_space<vmem>>, vector<1x16xf32>,
        %get3A_222 = vector.shape_cast %get3A_221 : vector<1x16xf32> to vector<16xf32>
        %add3A_223 = arith.addf %scan3A_204, %get3A_222 : vector<16xf32>
        %get3A_224 = arith.constant 0 : i32
        %get3A_225 = arith.constant 0 : i32
        %get3A_226 = tpu.memref_slice %arg6[%scan3A_146, %get3A_224, %get3A_225] : memref<4x100x64xf32, #tpu.memory_space<vmem>> -> memref<1x100x64xf32, #tpu.memory_space<vmem>>
        %get3A_227 = tpu.memref_squeeze %get3A_226 : memref<1x100x64xf32, #tpu.memory_space<vmem>> -> memref<100x64xf32, #tpu.memory_space<vmem>>
        %get3A_228 = arith.index_cast %scan3A_202 : i32 to index
        %get3A_229 = arith.constant 32 : index
        %get3A_230 = tpu.vector_load %get3A_227[%get3A_228, %get3A_229] {strides = array<i32>} : memref<100x64xf32, #tpu.memory_space<vmem>>, vector<1x16xf32>,
        %get3A_231 = vector.shape_cast %get3A_230 : vector<1x16xf32> to vector<16xf32>
        %add3A_232 = arith.addf %scan3A_205, %get3A_231 : vector<16xf32>
        %get3A_233 = arith.constant 0 : i32
        %get3A_234 = arith.constant 0 : i32
        %get3A_235 = tpu.memref_slice %arg6[%scan3A_146, %get3A_233, %get3A_234] : memref<4x100x64xf32, #tpu.memory_space<vmem>> -> memref<1x100x64xf32, #tpu.memory_space<vmem>>
        %get3A_236 = tpu.memref_squeeze %get3A_235 : memref<1x100x64xf32, #tpu.memory_space<vmem>> -> memref<100x64xf32, #tpu.memory_space<vmem>>
        %get3A_237 = arith.index_cast %scan3A_202 : i32 to index
        %get3A_238 = arith.constant 48 : index
        %get3A_239 = tpu.vector_load %get3A_236[%get3A_237, %get3A_238] {strides = array<i32>} : memref<100x64xf32, #tpu.memory_space<vmem>>, vector<1x16xf32>,
        %get3A_240 = vector.shape_cast %get3A_239 : vector<1x16xf32> to vector<16xf32>
        %add3A_241 = arith.addf %scan3A_206, %get3A_240 : vector<16xf32>
        %scan3A_242 = arith.constant 1 : i32
        %scan3A_243 = arith.addi %scan3A_202, %scan3A_242 : i32
        %get3A_244 = arith.constant 0 : i32
        %get3A_245 = arith.constant 0 : i32
        %get3A_246 = tpu.memref_slice %arg6[%scan3A_146, %get3A_244, %get3A_245] : memref<4x100x64xf32, #tpu.memory_space<vmem>> -> memref<1x100x64xf32, #tpu.memory_space<vmem>>
        %get3A_247 = tpu.memref_squeeze %get3A_246 : memref<1x100x64xf32, #tpu.memory_space<vmem>> -> memref<100x64xf32, #tpu.memory_space<vmem>>
        %get3A_248 = arith.index_cast %scan3A_243 : i32 to index
        %get3A_249 = arith.constant 0 : index
        %get3A_250 = tpu.vector_load %get3A_247[%get3A_248, %get3A_249] {strides = array<i32>} : memref<100x64xf32, #tpu.memory_space<vmem>>, vector<1x16xf32>,
        %get3A_251 = vector.shape_cast %get3A_250 : vector<1x16xf32> to vector<16xf32>
        %add3A_252 = arith.addf %add3A_214, %get3A_251 : vector<16xf32>
        %get3A_253 = arith.constant 0 : i32
        %get3A_254 = arith.constant 0 : i32
        %get3A_255 = tpu.memref_slice %arg6[%scan3A_146, %get3A_253, %get3A_254] : memref<4x100x64xf32, #tpu.memory_space<vmem>> -> memref<1x100x64xf32, #tpu.memory_space<vmem>>
        %get3A_256 = tpu.memref_squeeze %get3A_255 : memref<1x100x64xf32, #tpu.memory_space<vmem>> -> memref<100x64xf32, #tpu.memory_space<vmem>>
        %get3A_257 = arith.index_cast %scan3A_243 : i32 to index
        %get3A_258 = arith.constant 16 : index
        %get3A_259 = tpu.vector_load %get3A_256[%get3A_257, %get3A_258] {strides = array<i32>} : memref<100x64xf32, #tpu.memory_space<vmem>>, vector<1x16xf32>,
        %get3A_260 = vector.shape_cast %get3A_259 : vector<1x16xf32> to vector<16xf32>
        %add3A_261 = arith.addf %add3A_223, %get3A_260 : vector<16xf32>
        %get3A_262 = arith.constant 0 : i32
        %get3A_263 = arith.constant 0 : i32
        %get3A_264 = tpu.memref_slice %arg6[%scan3A_146, %get3A_262, %get3A_263] : memref<4x100x64xf32, #tpu.memory_space<vmem>> -> memref<1x100x64xf32, #tpu.memory_space<vmem>>
        %get3A_265 = tpu.memref_squeeze %get3A_264 : memref<1x100x64xf32, #tpu.memory_space<vmem>> -> memref<100x64xf32, #tpu.memory_space<vmem>>
        %get3A_266 = arith.index_cast %scan3A_243 : i32 to index
        %get3A_267 = arith.constant 32 : index
        %get3A_268 = tpu.vector_load %get3A_265[%get3A_266, %get3A_267] {strides = array<i32>} : memref<100x64xf32, #tpu.memory_space<vmem>>, vector<1x16xf32>,
        %get3A_269 = vector.shape_cast %get3A_268 : vector<1x16xf32> to vector<16xf32>
        %add3A_270 = arith.addf %add3A_232, %get3A_269 : vector<16xf32>
        %get3A_271 = arith.constant 0 : i32
        %get3A_272 = arith.constant 0 : i32
        %get3A_273 = tpu.memref_slice %arg6[%scan3A_146, %get3A_271, %get3A_272] : memref<4x100x64xf32, #tpu.memory_space<vmem>> -> memref<1x100x64xf32, #tpu.memory_space<vmem>>
        %get3A_274 = tpu.memref_squeeze %get3A_273 : memref<1x100x64xf32, #tpu.memory_space<vmem>> -> memref<100x64xf32, #tpu.memory_space<vmem>>
        %get3A_275 = arith.index_cast %scan3A_243 : i32 to index
        %get3A_276 = arith.constant 48 : index
        %get3A_277 = tpu.vector_load %get3A_274[%get3A_275, %get3A_276] {strides = array<i32>} : memref<100x64xf32, #tpu.memory_space<vmem>>, vector<1x16xf32>,
        %get3A_278 = vector.shape_cast %get3A_277 : vector<1x16xf32> to vector<16xf32>
        %add3A_279 = arith.addf %add3A_241, %get3A_278 : vector<16xf32>
        %scan3A_280 = arith.constant 2 : i32
        %scan3A_281 = arith.addi %scan3A_202, %scan3A_280 : i32
        %get3A_282 = arith.constant 0 : i32
        %get3A_283 = arith.constant 0 : i32
        %get3A_284 = tpu.memref_slice %arg6[%scan3A_146, %get3A_282, %get3A_283] : memref<4x100x64xf32, #tpu.memory_space<vmem>> -> memref<1x100x64xf32, #tpu.memory_space<vmem>>
        %get3A_285 = tpu.memref_squeeze %get3A_284 : memref<1x100x64xf32, #tpu.memory_space<vmem>> -> memref<100x64xf32, #tpu.memory_space<vmem>>
        %get3A_286 = arith.index_cast %scan3A_281 : i32 to index
        %get3A_287 = arith.constant 0 : index
        %get3A_288 = tpu.vector_load %get3A_285[%get3A_286, %get3A_287] {strides = array<i32>} : memref<100x64xf32, #tpu.memory_space<vmem>>, vector<1x16xf32>,
        %get3A_289 = vector.shape_cast %get3A_288 : vector<1x16xf32> to vector<16xf32>
        %add3A_290 = arith.addf %add3A_252, %get3A_289 : vector<16xf32>
        %get3A_291 = arith.constant 0 : i32
        %get3A_292 = arith.constant 0 : i32
        %get3A_293 = tpu.memref_slice %arg6[%scan3A_146, %get3A_291, %get3A_292] : memref<4x100x64xf32, #tpu.memory_space<vmem>> -> memref<1x100x64xf32, #tpu.memory_space<vmem>>
        %get3A_294 = tpu.memref_squeeze %get3A_293 : memref<1x100x64xf32, #tpu.memory_space<vmem>> -> memref<100x64xf32, #tpu.memory_space<vmem>>
        %get3A_295 = arith.index_cast %scan3A_281 : i32 to index
        %get3A_296 = arith.constant 16 : index
        %get3A_297 = tpu.vector_load %get3A_294[%get3A_295, %get3A_296] {strides = array<i32>} : memref<100x64xf32, #tpu.memory_space<vmem>>, vector<1x16xf32>,
        %get3A_298 = vector.shape_cast %get3A_297 : vector<1x16xf32> to vector<16xf32>
        %add3A_299 = arith.addf %add3A_261, %get3A_298 : vector<16xf32>
        %get3A_300 = arith.constant 0 : i32
        %get3A_301 = arith.constant 0 : i32
        %get3A_302 = tpu.memref_slice %arg6[%scan3A_146, %get3A_300, %get3A_301] : memref<4x100x64xf32, #tpu.memory_space<vmem>> -> memref<1x100x64xf32, #tpu.memory_space<vmem>>
        %get3A_303 = tpu.memref_squeeze %get3A_302 : memref<1x100x64xf32, #tpu.memory_space<vmem>> -> memref<100x64xf32, #tpu.memory_space<vmem>>
        %get3A_304 = arith.index_cast %scan3A_281 : i32 to index
        %get3A_305 = arith.constant 32 : index
        %get3A_306 = tpu.vector_load %get3A_303[%get3A_304, %get3A_305] {strides = array<i32>} : memref<100x64xf32, #tpu.memory_space<vmem>>, vector<1x16xf32>,
        %get3A_307 = vector.shape_cast %get3A_306 : vector<1x16xf32> to vector<16xf32>
        %add3A_308 = arith.addf %add3A_270, %get3A_307 : vector<16xf32>
        %get3A_309 = arith.constant 0 : i32
        %get3A_310 = arith.constant 0 : i32
        %get3A_311 = tpu.memref_slice %arg6[%scan3A_146, %get3A_309, %get3A_310] : memref<4x100x64xf32, #tpu.memory_space<vmem>> -> memref<1x100x64xf32, #tpu.memory_space<vmem>>
        %get3A_312 = tpu.memref_squeeze %get3A_311 : memref<1x100x64xf32, #tpu.memory_space<vmem>> -> memref<100x64xf32, #tpu.memory_space<vmem>>
        %get3A_313 = arith.index_cast %scan3A_281 : i32 to index
        %get3A_314 = arith.constant 48 : index
        %get3A_315 = tpu.vector_load %get3A_312[%get3A_313, %get3A_314] {strides = array<i32>} : memref<100x64xf32, #tpu.memory_space<vmem>>, vector<1x16xf32>,
        %get3A_316 = vector.shape_cast %get3A_315 : vector<1x16xf32> to vector<16xf32>
        %add3A_317 = arith.addf %add3A_279, %get3A_316 : vector<16xf32>
        %scan3A_318 = arith.constant 3 : i32
        %scan3A_319 = arith.addi %scan3A_202, %scan3A_318 : i32
        %get3A_320 = arith.constant 0 : i32
        %get3A_321 = arith.constant 0 : i32
        %get3A_322 = tpu.memref_slice %arg6[%scan3A_146, %get3A_320, %get3A_321] : memref<4x100x64xf32, #tpu.memory_space<vmem>> -> memref<1x100x64xf32, #tpu.memory_space<vmem>>
        %get3A_323 = tpu.memref_squeeze %get3A_322 : memref<1x100x64xf32, #tpu.memory_space<vmem>> -> memref<100x64xf32, #tpu.memory_space<vmem>>
        %get3A_324 = arith.index_cast %scan3A_319 : i32 to index
        %get3A_325 = arith.constant 0 : index
        %get3A_326 = tpu.vector_load %get3A_323[%get3A_324, %get3A_325] {strides = array<i32>} : memref<100x64xf32, #tpu.memory_space<vmem>>, vector<1x16xf32>,
        %get3A_327 = vector.shape_cast %get3A_326 : vector<1x16xf32> to vector<16xf32>
        %add3A_328 = arith.addf %add3A_290, %get3A_327 : vector<16xf32>
        %get3A_329 = arith.constant 0 : i32
        %get3A_330 = arith.constant 0 : i32
        %get3A_331 = tpu.memref_slice %arg6[%scan3A_146, %get3A_329, %get3A_330] : memref<4x100x64xf32, #tpu.memory_space<vmem>> -> memref<1x100x64xf32, #tpu.memory_space<vmem>>
        %get3A_332 = tpu.memref_squeeze %get3A_331 : memref<1x100x64xf32, #tpu.memory_space<vmem>> -> memref<100x64xf32, #tpu.memory_space<vmem>>
        %get3A_333 = arith.index_cast %scan3A_319 : i32 to index
        %get3A_334 = arith.constant 16 : index
        %get3A_335 = tpu.vector_load %get3A_332[%get3A_333, %get3A_334] {strides = array<i32>} : memref<100x64xf32, #tpu.memory_space<vmem>>, vector<1x16xf32>,
        %get3A_336 = vector.shape_cast %get3A_335 : vector<1x16xf32> to vector<16xf32>
        %add3A_337 = arith.addf %add3A_299, %get3A_336 : vector<16xf32>
        %get3A_338 = arith.constant 0 : i32
        %get3A_339 = arith.constant 0 : i32
        %get3A_340 = tpu.memref_slice %arg6[%scan3A_146, %get3A_338, %get3A_339] : memref<4x100x64xf32, #tpu.memory_space<vmem>> -> memref<1x100x64xf32, #tpu.memory_space<vmem>>
        %get3A_341 = tpu.memref_squeeze %get3A_340 : memref<1x100x64xf32, #tpu.memory_space<vmem>> -> memref<100x64xf32, #tpu.memory_space<vmem>>
        %get3A_342 = arith.index_cast %scan3A_319 : i32 to index
        %get3A_343 = arith.constant 32 : index
        %get3A_344 = tpu.vector_load %get3A_341[%get3A_342, %get3A_343] {strides = array<i32>} : memref<100x64xf32, #tpu.memory_space<vmem>>, vector<1x16xf32>,
        %get3A_345 = vector.shape_cast %get3A_344 : vector<1x16xf32> to vector<16xf32>
        %add3A_346 = arith.addf %add3A_308, %get3A_345 : vector<16xf32>
        %get3A_347 = arith.constant 0 : i32
        %get3A_348 = arith.constant 0 : i32
        %get3A_349 = tpu.memref_slice %arg6[%scan3A_146, %get3A_347, %get3A_348] : memref<4x100x64xf32, #tpu.memory_space<vmem>> -> memref<1x100x64xf32, #tpu.memory_space<vmem>>
        %get3A_350 = tpu.memref_squeeze %get3A_349 : memref<1x100x64xf32, #tpu.memory_space<vmem>> -> memref<100x64xf32, #tpu.memory_space<vmem>>
        %get3A_351 = arith.index_cast %scan3A_319 : i32 to index
        %get3A_352 = arith.constant 48 : index
        %get3A_353 = tpu.vector_load %get3A_350[%get3A_351, %get3A_352] {strides = array<i32>} : memref<100x64xf32, #tpu.memory_space<vmem>>, vector<1x16xf32>,
        %get3A_354 = vector.shape_cast %get3A_353 : vector<1x16xf32> to vector<16xf32>
        %add3A_355 = arith.addf %add3A_317, %get3A_354 : vector<16xf32>
        scf.yield %add3A_328, %add3A_337, %add3A_346, %add3A_355 : vector<16xf32>, vector<16xf32>, vector<16xf32>, vector<16xf32>
      }
      %scan3A_152 = arith.constant 100 : i32
      %add3A_153 = arith.constant 3 : i32
      %add3A_154 = arith.addi %mul3A_58, %add3A_153 : i32
      %dma_wait3A_155 = arith.constant 3 : i32
      %dma_wait3A_156 = arith.constant 0 : i32
      %dma_wait3A_157 = arith.constant 0 : i32
      %dma_wait3A_158 = tpu.memref_slice %arg6[%dma_wait3A_155, %dma_wait3A_156, %dma_wait3A_157] : memref<4x100x64xf32, #tpu.memory_space<vmem>> -> memref<1x100x64xf32, #tpu.memory_space<vmem>>
      %dma_wait3A_159 = tpu.memref_squeeze %dma_wait3A_158 : memref<1x100x64xf32, #tpu.memory_space<vmem>> -> memref<100x64xf32, #tpu.memory_space<vmem>>
      %dma_wait3A_160 = arith.constant 0 : i32
      %dma_wait3A_161 = tpu.memref_slice %arg5[%add3A_154, %dma_wait3A_160] : memref<256x100xi32, #tpu.memory_space<vmem>> -> memref<1x100xi32, #tpu.memory_space<vmem>>
      %dma_wait3A_162 = tpu.memref_squeeze %dma_wait3A_161 : memref<1x100xi32, #tpu.memory_space<vmem>> -> memref<100xi32, #tpu.memory_space<vmem>>
      %dma_wait3A_163 = arith.constant 0 : i32
      %dma_wait3A_164 = arith.constant 0 : i32
      %dma_wait3A_165 = tpu.memref_slice %arg3[%dma_wait3A_163, %dma_wait3A_164] : memref<1000000x64xf32, #tpu.memory_space<hbm>> -> memref<1000000x64xf32, #tpu.memory_space<hbm>>
      tpu.wait_indirect_dma semaphore(%arg11 : memref<!tpu.dma_semaphore, #tpu.memory_space<semaphore_mem>>) src(%dma_wait3A_165 : memref<1000000x64xf32, #tpu.memory_space<hbm>>) dst(%dma_wait3A_159 : memref<100x64xf32, #tpu.memory_space<vmem>>)
      %lt3A_166 = arith.constant 63 : i32
      %lt3A_167 = arith.cmpi slt, %scan3A_56, %lt3A_166 : i32
      %convert_element_type3A_168 = arith.extui %lt3A_167 : i1 to i32
      %cond3A_169 = arith.constant 0 : i32
      %cond3A_170 = arith.cmpi ne, %convert_element_type3A_168, %cond3A_169 : i32
      scf.if %cond3A_170 {
        %add3A_202 = arith.constant 4 : i32
        %add3A_203 = arith.addi %add3A_154, %add3A_202 : i32
        %dma_start3A_204 = arith.constant 3 : i32
        %dma_start3A_205 = arith.constant 0 : i32
        %dma_start3A_206 = arith.constant 0 : i32
        %dma_start3A_207 = tpu.memref_slice %arg6[%dma_start3A_204, %dma_start3A_205, %dma_start3A_206] : memref<4x100x64xf32, #tpu.memory_space<vmem>> -> memref<1x100x64xf32, #tpu.memory_space<vmem>>
        %dma_start3A_208 = tpu.memref_squeeze %dma_start3A_207 : memref<1x100x64xf32, #tpu.memory_space<vmem>> -> memref<100x64xf32, #tpu.memory_space<vmem>>
        %dma_start3A_209 = arith.constant 0 : i32
        %dma_start3A_210 = tpu.memref_slice %arg5[%add3A_203, %dma_start3A_209] : memref<256x100xi32, #tpu.memory_space<vmem>> -> memref<1x100xi32, #tpu.memory_space<vmem>>
        %dma_start3A_211 = tpu.memref_squeeze %dma_start3A_210 : memref<1x100xi32, #tpu.memory_space<vmem>> -> memref<100xi32, #tpu.memory_space<vmem>>
        %dma_start3A_212 = arith.constant 0 : i32
        %dma_start3A_213 = arith.constant 0 : i32
        %dma_start3A_214 = tpu.memref_slice %arg3[%dma_start3A_212, %dma_start3A_213] : memref<1000000x64xf32, #tpu.memory_space<hbm>> -> memref<1000000x64xf32, #tpu.memory_space<hbm>>
        tpu.enqueue_indirect_dma source(%dma_start3A_214 : memref<1000000x64xf32, #tpu.memory_space<hbm>>) target(%dma_start3A_208 : memref<100x64xf32, #tpu.memory_space<vmem>>) offsets(%dma_start3A_211 : memref<100xi32, #tpu.memory_space<vmem>>) semaphore(%arg11 : memref<!tpu.dma_semaphore, #tpu.memory_space<semaphore_mem>>)
      } else {
      }
      %scan3A_171 = arith.constant 3 : i32
      %scan3A_172 = arith.constant 0 : i32
      %scan3A_173 = arith.constant 100 : i32
      %scan3A_174 = arith.addi %scan3A_172, %scan3A_173 : i32
      %scan3A_175 = arith.constant 4 : i32
      %scan3A_176:4 = scf.for %scan3A_202 = %scan3A_172 to %scan3A_174 step %scan3A_175 iter_args(%scan3A_203 = %scan3A_151#0, %scan3A_204 = %scan3A_151#1, %scan3A_205 = %scan3A_151#2, %scan3A_206 = %scan3A_151#3) -> (vector<16xf32>, vector<16xf32>, vector<16xf32>, vector<16xf32>)  : i32 {
        %get3A = arith.constant 0 : i32
        %get3A_207 = arith.constant 0 : i32
        %get3A_208 = tpu.memref_slice %arg6[%scan3A_171, %get3A, %get3A_207] : memref<4x100x64xf32, #tpu.memory_space<vmem>> -> memref<1x100x64xf32, #tpu.memory_space<vmem>>
        %get3A_209 = tpu.memref_squeeze %get3A_208 : memref<1x100x64xf32, #tpu.memory_space<vmem>> -> memref<100x64xf32, #tpu.memory_space<vmem>>
        %get3A_210 = arith.index_cast %scan3A_202 : i32 to index
        %get3A_211 = arith.constant 0 : index
        %get3A_212 = tpu.vector_load %get3A_209[%get3A_210, %get3A_211] {strides = array<i32>} : memref<100x64xf32, #tpu.memory_space<vmem>>, vector<1x16xf32>,
        %get3A_213 = vector.shape_cast %get3A_212 : vector<1x16xf32> to vector<16xf32>
        %add3A_214 = arith.addf %scan3A_203, %get3A_213 : vector<16xf32>
        %get3A_215 = arith.constant 0 : i32
        %get3A_216 = arith.constant 0 : i32
        %get3A_217 = tpu.memref_slice %arg6[%scan3A_171, %get3A_215, %get3A_216] : memref<4x100x64xf32, #tpu.memory_space<vmem>> -> memref<1x100x64xf32, #tpu.memory_space<vmem>>
        %get3A_218 = tpu.memref_squeeze %get3A_217 : memref<1x100x64xf32, #tpu.memory_space<vmem>> -> memref<100x64xf32, #tpu.memory_space<vmem>>
        %get3A_219 = arith.index_cast %scan3A_202 : i32 to index
        %get3A_220 = arith.constant 16 : index
        %get3A_221 = tpu.vector_load %get3A_218[%get3A_219, %get3A_220] {strides = array<i32>} : memref<100x64xf32, #tpu.memory_space<vmem>>, vector<1x16xf32>,
        %get3A_222 = vector.shape_cast %get3A_221 : vector<1x16xf32> to vector<16xf32>
        %add3A_223 = arith.addf %scan3A_204, %get3A_222 : vector<16xf32>
        %get3A_224 = arith.constant 0 : i32
        %get3A_225 = arith.constant 0 : i32
        %get3A_226 = tpu.memref_slice %arg6[%scan3A_171, %get3A_224, %get3A_225] : memref<4x100x64xf32, #tpu.memory_space<vmem>> -> memref<1x100x64xf32, #tpu.memory_space<vmem>>
        %get3A_227 = tpu.memref_squeeze %get3A_226 : memref<1x100x64xf32, #tpu.memory_space<vmem>> -> memref<100x64xf32, #tpu.memory_space<vmem>>
        %get3A_228 = arith.index_cast %scan3A_202 : i32 to index
        %get3A_229 = arith.constant 32 : index
        %get3A_230 = tpu.vector_load %get3A_227[%get3A_228, %get3A_229] {strides = array<i32>} : memref<100x64xf32, #tpu.memory_space<vmem>>, vector<1x16xf32>,
        %get3A_231 = vector.shape_cast %get3A_230 : vector<1x16xf32> to vector<16xf32>
        %add3A_232 = arith.addf %scan3A_205, %get3A_231 : vector<16xf32>
        %get3A_233 = arith.constant 0 : i32
        %get3A_234 = arith.constant 0 : i32
        %get3A_235 = tpu.memref_slice %arg6[%scan3A_171, %get3A_233, %get3A_234] : memref<4x100x64xf32, #tpu.memory_space<vmem>> -> memref<1x100x64xf32, #tpu.memory_space<vmem>>
        %get3A_236 = tpu.memref_squeeze %get3A_235 : memref<1x100x64xf32, #tpu.memory_space<vmem>> -> memref<100x64xf32, #tpu.memory_space<vmem>>
        %get3A_237 = arith.index_cast %scan3A_202 : i32 to index
        %get3A_238 = arith.constant 48 : index
        %get3A_239 = tpu.vector_load %get3A_236[%get3A_237, %get3A_238] {strides = array<i32>} : memref<100x64xf32, #tpu.memory_space<vmem>>, vector<1x16xf32>,
        %get3A_240 = vector.shape_cast %get3A_239 : vector<1x16xf32> to vector<16xf32>
        %add3A_241 = arith.addf %scan3A_206, %get3A_240 : vector<16xf32>
        %scan3A_242 = arith.constant 1 : i32
        %scan3A_243 = arith.addi %scan3A_202, %scan3A_242 : i32
        %get3A_244 = arith.constant 0 : i32
        %get3A_245 = arith.constant 0 : i32
        %get3A_246 = tpu.memref_slice %arg6[%scan3A_171, %get3A_244, %get3A_245] : memref<4x100x64xf32, #tpu.memory_space<vmem>> -> memref<1x100x64xf32, #tpu.memory_space<vmem>>
        %get3A_247 = tpu.memref_squeeze %get3A_246 : memref<1x100x64xf32, #tpu.memory_space<vmem>> -> memref<100x64xf32, #tpu.memory_space<vmem>>
        %get3A_248 = arith.index_cast %scan3A_243 : i32 to index
        %get3A_249 = arith.constant 0 : index
        %get3A_250 = tpu.vector_load %get3A_247[%get3A_248, %get3A_249] {strides = array<i32>} : memref<100x64xf32, #tpu.memory_space<vmem>>, vector<1x16xf32>,
        %get3A_251 = vector.shape_cast %get3A_250 : vector<1x16xf32> to vector<16xf32>
        %add3A_252 = arith.addf %add3A_214, %get3A_251 : vector<16xf32>
        %get3A_253 = arith.constant 0 : i32
        %get3A_254 = arith.constant 0 : i32
        %get3A_255 = tpu.memref_slice %arg6[%scan3A_171, %get3A_253, %get3A_254] : memref<4x100x64xf32, #tpu.memory_space<vmem>> -> memref<1x100x64xf32, #tpu.memory_space<vmem>>
        %get3A_256 = tpu.memref_squeeze %get3A_255 : memref<1x100x64xf32, #tpu.memory_space<vmem>> -> memref<100x64xf32, #tpu.memory_space<vmem>>
        %get3A_257 = arith.index_cast %scan3A_243 : i32 to index
        %get3A_258 = arith.constant 16 : index
        %get3A_259 = tpu.vector_load %get3A_256[%get3A_257, %get3A_258] {strides = array<i32>} : memref<100x64xf32, #tpu.memory_space<vmem>>, vector<1x16xf32>,
        %get3A_260 = vector.shape_cast %get3A_259 : vector<1x16xf32> to vector<16xf32>
        %add3A_261 = arith.addf %add3A_223, %get3A_260 : vector<16xf32>
        %get3A_262 = arith.constant 0 : i32
        %get3A_263 = arith.constant 0 : i32
        %get3A_264 = tpu.memref_slice %arg6[%scan3A_171, %get3A_262, %get3A_263] : memref<4x100x64xf32, #tpu.memory_space<vmem>> -> memref<1x100x64xf32, #tpu.memory_space<vmem>>
        %get3A_265 = tpu.memref_squeeze %get3A_264 : memref<1x100x64xf32, #tpu.memory_space<vmem>> -> memref<100x64xf32, #tpu.memory_space<vmem>>
        %get3A_266 = arith.index_cast %scan3A_243 : i32 to index
        %get3A_267 = arith.constant 32 : index
        %get3A_268 = tpu.vector_load %get3A_265[%get3A_266, %get3A_267] {strides = array<i32>} : memref<100x64xf32, #tpu.memory_space<vmem>>, vector<1x16xf32>,
        %get3A_269 = vector.shape_cast %get3A_268 : vector<1x16xf32> to vector<16xf32>
        %add3A_270 = arith.addf %add3A_232, %get3A_269 : vector<16xf32>
        %get3A_271 = arith.constant 0 : i32
        %get3A_272 = arith.constant 0 : i32
        %get3A_273 = tpu.memref_slice %arg6[%scan3A_171, %get3A_271, %get3A_272] : memref<4x100x64xf32, #tpu.memory_space<vmem>> -> memref<1x100x64xf32, #tpu.memory_space<vmem>>
        %get3A_274 = tpu.memref_squeeze %get3A_273 : memref<1x100x64xf32, #tpu.memory_space<vmem>> -> memref<100x64xf32, #tpu.memory_space<vmem>>
        %get3A_275 = arith.index_cast %scan3A_243 : i32 to index
        %get3A_276 = arith.constant 48 : index
        %get3A_277 = tpu.vector_load %get3A_274[%get3A_275, %get3A_276] {strides = array<i32>} : memref<100x64xf32, #tpu.memory_space<vmem>>, vector<1x16xf32>,
        %get3A_278 = vector.shape_cast %get3A_277 : vector<1x16xf32> to vector<16xf32>
        %add3A_279 = arith.addf %add3A_241, %get3A_278 : vector<16xf32>
        %scan3A_280 = arith.constant 2 : i32
        %scan3A_281 = arith.addi %scan3A_202, %scan3A_280 : i32
        %get3A_282 = arith.constant 0 : i32
        %get3A_283 = arith.constant 0 : i32
        %get3A_284 = tpu.memref_slice %arg6[%scan3A_171, %get3A_282, %get3A_283] : memref<4x100x64xf32, #tpu.memory_space<vmem>> -> memref<1x100x64xf32, #tpu.memory_space<vmem>>
        %get3A_285 = tpu.memref_squeeze %get3A_284 : memref<1x100x64xf32, #tpu.memory_space<vmem>> -> memref<100x64xf32, #tpu.memory_space<vmem>>
        %get3A_286 = arith.index_cast %scan3A_281 : i32 to index
        %get3A_287 = arith.constant 0 : index
        %get3A_288 = tpu.vector_load %get3A_285[%get3A_286, %get3A_287] {strides = array<i32>} : memref<100x64xf32, #tpu.memory_space<vmem>>, vector<1x16xf32>,
        %get3A_289 = vector.shape_cast %get3A_288 : vector<1x16xf32> to vector<16xf32>
        %add3A_290 = arith.addf %add3A_252, %get3A_289 : vector<16xf32>
        %get3A_291 = arith.constant 0 : i32
        %get3A_292 = arith.constant 0 : i32
        %get3A_293 = tpu.memref_slice %arg6[%scan3A_171, %get3A_291, %get3A_292] : memref<4x100x64xf32, #tpu.memory_space<vmem>> -> memref<1x100x64xf32, #tpu.memory_space<vmem>>
        %get3A_294 = tpu.memref_squeeze %get3A_293 : memref<1x100x64xf32, #tpu.memory_space<vmem>> -> memref<100x64xf32, #tpu.memory_space<vmem>>
        %get3A_295 = arith.index_cast %scan3A_281 : i32 to index
        %get3A_296 = arith.constant 16 : index
        %get3A_297 = tpu.vector_load %get3A_294[%get3A_295, %get3A_296] {strides = array<i32>} : memref<100x64xf32, #tpu.memory_space<vmem>>, vector<1x16xf32>,
        %get3A_298 = vector.shape_cast %get3A_297 : vector<1x16xf32> to vector<16xf32>
        %add3A_299 = arith.addf %add3A_261, %get3A_298 : vector<16xf32>
        %get3A_300 = arith.constant 0 : i32
        %get3A_301 = arith.constant 0 : i32
        %get3A_302 = tpu.memref_slice %arg6[%scan3A_171, %get3A_300, %get3A_301] : memref<4x100x64xf32, #tpu.memory_space<vmem>> -> memref<1x100x64xf32, #tpu.memory_space<vmem>>
        %get3A_303 = tpu.memref_squeeze %get3A_302 : memref<1x100x64xf32, #tpu.memory_space<vmem>> -> memref<100x64xf32, #tpu.memory_space<vmem>>
        %get3A_304 = arith.index_cast %scan3A_281 : i32 to index
        %get3A_305 = arith.constant 32 : index
        %get3A_306 = tpu.vector_load %get3A_303[%get3A_304, %get3A_305] {strides = array<i32>} : memref<100x64xf32, #tpu.memory_space<vmem>>, vector<1x16xf32>,
        %get3A_307 = vector.shape_cast %get3A_306 : vector<1x16xf32> to vector<16xf32>
        %add3A_308 = arith.addf %add3A_270, %get3A_307 : vector<16xf32>
        %get3A_309 = arith.constant 0 : i32
        %get3A_310 = arith.constant 0 : i32
        %get3A_311 = tpu.memref_slice %arg6[%scan3A_171, %get3A_309, %get3A_310] : memref<4x100x64xf32, #tpu.memory_space<vmem>> -> memref<1x100x64xf32, #tpu.memory_space<vmem>>
        %get3A_312 = tpu.memref_squeeze %get3A_311 : memref<1x100x64xf32, #tpu.memory_space<vmem>> -> memref<100x64xf32, #tpu.memory_space<vmem>>
        %get3A_313 = arith.index_cast %scan3A_281 : i32 to index
        %get3A_314 = arith.constant 48 : index
        %get3A_315 = tpu.vector_load %get3A_312[%get3A_313, %get3A_314] {strides = array<i32>} : memref<100x64xf32, #tpu.memory_space<vmem>>, vector<1x16xf32>,
        %get3A_316 = vector.shape_cast %get3A_315 : vector<1x16xf32> to vector<16xf32>
        %add3A_317 = arith.addf %add3A_279, %get3A_316 : vector<16xf32>
        %scan3A_318 = arith.constant 3 : i32
        %scan3A_319 = arith.addi %scan3A_202, %scan3A_318 : i32
        %get3A_320 = arith.constant 0 : i32
        %get3A_321 = arith.constant 0 : i32
        %get3A_322 = tpu.memref_slice %arg6[%scan3A_171, %get3A_320, %get3A_321] : memref<4x100x64xf32, #tpu.memory_space<vmem>> -> memref<1x100x64xf32, #tpu.memory_space<vmem>>
        %get3A_323 = tpu.memref_squeeze %get3A_322 : memref<1x100x64xf32, #tpu.memory_space<vmem>> -> memref<100x64xf32, #tpu.memory_space<vmem>>
        %get3A_324 = arith.index_cast %scan3A_319 : i32 to index
        %get3A_325 = arith.constant 0 : index
        %get3A_326 = tpu.vector_load %get3A_323[%get3A_324, %get3A_325] {strides = array<i32>} : memref<100x64xf32, #tpu.memory_space<vmem>>, vector<1x16xf32>,
        %get3A_327 = vector.shape_cast %get3A_326 : vector<1x16xf32> to vector<16xf32>
        %add3A_328 = arith.addf %add3A_290, %get3A_327 : vector<16xf32>
        %get3A_329 = arith.constant 0 : i32
        %get3A_330 = arith.constant 0 : i32
        %get3A_331 = tpu.memref_slice %arg6[%scan3A_171, %get3A_329, %get3A_330] : memref<4x100x64xf32, #tpu.memory_space<vmem>> -> memref<1x100x64xf32, #tpu.memory_space<vmem>>
        %get3A_332 = tpu.memref_squeeze %get3A_331 : memref<1x100x64xf32, #tpu.memory_space<vmem>> -> memref<100x64xf32, #tpu.memory_space<vmem>>
        %get3A_333 = arith.index_cast %scan3A_319 : i32 to index
        %get3A_334 = arith.constant 16 : index
        %get3A_335 = tpu.vector_load %get3A_332[%get3A_333, %get3A_334] {strides = array<i32>} : memref<100x64xf32, #tpu.memory_space<vmem>>, vector<1x16xf32>,
        %get3A_336 = vector.shape_cast %get3A_335 : vector<1x16xf32> to vector<16xf32>
        %add3A_337 = arith.addf %add3A_299, %get3A_336 : vector<16xf32>
        %get3A_338 = arith.constant 0 : i32
        %get3A_339 = arith.constant 0 : i32
        %get3A_340 = tpu.memref_slice %arg6[%scan3A_171, %get3A_338, %get3A_339] : memref<4x100x64xf32, #tpu.memory_space<vmem>> -> memref<1x100x64xf32, #tpu.memory_space<vmem>>
        %get3A_341 = tpu.memref_squeeze %get3A_340 : memref<1x100x64xf32, #tpu.memory_space<vmem>> -> memref<100x64xf32, #tpu.memory_space<vmem>>
        %get3A_342 = arith.index_cast %scan3A_319 : i32 to index
        %get3A_343 = arith.constant 32 : index
        %get3A_344 = tpu.vector_load %get3A_341[%get3A_342, %get3A_343] {strides = array<i32>} : memref<100x64xf32, #tpu.memory_space<vmem>>, vector<1x16xf32>,
        %get3A_345 = vector.shape_cast %get3A_344 : vector<1x16xf32> to vector<16xf32>
        %add3A_346 = arith.addf %add3A_308, %get3A_345 : vector<16xf32>
        %get3A_347 = arith.constant 0 : i32
        %get3A_348 = arith.constant 0 : i32
        %get3A_349 = tpu.memref_slice %arg6[%scan3A_171, %get3A_347, %get3A_348] : memref<4x100x64xf32, #tpu.memory_space<vmem>> -> memref<1x100x64xf32, #tpu.memory_space<vmem>>
        %get3A_350 = tpu.memref_squeeze %get3A_349 : memref<1x100x64xf32, #tpu.memory_space<vmem>> -> memref<100x64xf32, #tpu.memory_space<vmem>>
        %get3A_351 = arith.index_cast %scan3A_319 : i32 to index
        %get3A_352 = arith.constant 48 : index
        %get3A_353 = tpu.vector_load %get3A_350[%get3A_351, %get3A_352] {strides = array<i32>} : memref<100x64xf32, #tpu.memory_space<vmem>>, vector<1x16xf32>,
        %get3A_354 = vector.shape_cast %get3A_353 : vector<1x16xf32> to vector<16xf32>
        %add3A_355 = arith.addf %add3A_317, %get3A_354 : vector<16xf32>
        scf.yield %add3A_328, %add3A_337, %add3A_346, %add3A_355 : vector<16xf32>, vector<16xf32>, vector<16xf32>, vector<16xf32>
      }
      %scan3A_177 = arith.constant 100 : i32
      %mul3A_178 = arith.constant 2 : i32
      %mul3A_179 = arith.muli %mul3A_178, %scan3A_56 : i32
      %add3A_180 = arith.constant 1 : i32
      %add3A_181 = arith.addi %mul3A_179, %add3A_180 : i32
      %swap3A_182 = arith.index_cast %add3A_181 : i32 to index
      %swap3A_183 = arith.constant 0 : index
      %swap3A_184 = tpu.vector_load %arg7[%swap3A_182, %swap3A_183] {strides = array<i32>} : memref<128x64xf32, #tpu.memory_space<vmem>>, vector<1x16xf32>,
      %swap3A_185 = vector.shape_cast %swap3A_184 : vector<1x16xf32> to vector<16xf32>
      %swap3A_186 = vector.shape_cast %scan3A_176#0 : vector<16xf32> to vector<1x16xf32>
      tpu.vector_store %arg7[%swap3A_182, %swap3A_183], %swap3A_186 {strides = array<i32>} : memref<128x64xf32, #tpu.memory_space<vmem>>, vector<1x16xf32>,
      %swap3A_187 = arith.index_cast %add3A_181 : i32 to index
      %swap3A_188 = arith.constant 16 : index
      %swap3A_189 = tpu.vector_load %arg7[%swap3A_187, %swap3A_188] {strides = array<i32>} : memref<128x64xf32, #tpu.memory_space<vmem>>, vector<1x16xf32>,
      %swap3A_190 = vector.shape_cast %swap3A_189 : vector<1x16xf32> to vector<16xf32>
      %swap3A_191 = vector.shape_cast %scan3A_176#1 : vector<16xf32> to vector<1x16xf32>
      tpu.vector_store %arg7[%swap3A_187, %swap3A_188], %swap3A_191 {strides = array<i32>} : memref<128x64xf32, #tpu.memory_space<vmem>>, vector<1x16xf32>,
      %swap3A_192 = arith.index_cast %add3A_181 : i32 to index
      %swap3A_193 = arith.constant 32 : index
      %swap3A_194 = tpu.vector_load %arg7[%swap3A_192, %swap3A_193] {strides = array<i32>} : memref<128x64xf32, #tpu.memory_space<vmem>>, vector<1x16xf32>,
      %swap3A_195 = vector.shape_cast %swap3A_194 : vector<1x16xf32> to vector<16xf32>
      %swap3A_196 = vector.shape_cast %scan3A_176#2 : vector<16xf32> to vector<1x16xf32>
      tpu.vector_store %arg7[%swap3A_192, %swap3A_193], %swap3A_196 {strides = array<i32>} : memref<128x64xf32, #tpu.memory_space<vmem>>, vector<1x16xf32>,
      %swap3A_197 = arith.index_cast %add3A_181 : i32 to index
      %swap3A_198 = arith.constant 48 : index
      %swap3A_199 = tpu.vector_load %arg7[%swap3A_197, %swap3A_198] {strides = array<i32>} : memref<128x64xf32, #tpu.memory_space<vmem>>, vector<1x16xf32>,
      %swap3A_200 = vector.shape_cast %swap3A_199 : vector<1x16xf32> to vector<16xf32>
      %swap3A_201 = vector.shape_cast %scan3A_176#3 : vector<16xf32> to vector<1x16xf32>
      tpu.vector_store %arg7[%swap3A_197, %swap3A_198], %swap3A_201 {strides = array<i32>} : memref<128x64xf32, #tpu.memory_space<vmem>>, vector<1x16xf32>,
    }
    %scan3A_53 = arith.constant 64 : i32
    %mul3A_54 = arith.constant 128 : i32
    %mul3A_55 = arith.muli %add3A, %mul3A_54 : i32
    "tpu.region"() ({
      %run_scoped3A = tpu.sem_alloc : memref<!tpu.dma_semaphore, #tpu.memory_space<semaphore_mem>>
      %dma_start3A_56 = arith.constant 0 : i32
      %dma_start3A_57 = tpu.memref_slice %arg4[%mul3A_55, %dma_start3A_56] : memref<4096x64xf32, #tpu.memory_space<hbm>> -> memref<128x64xf32, #tpu.memory_space<hbm>>
      %dma_start3A_58 = arith.constant 0 : i32
      %dma_start3A_59 = tpu.memref_slice %arg4[%mul3A_55, %dma_start3A_58] : memref<4096x64xf32, #tpu.memory_space<hbm>> -> memref<128x64xf32, #tpu.memory_space<hbm>>
      tpu.enqueue_dma source(%arg7 : memref<128x64xf32, #tpu.memory_space<vmem>>) target(%dma_start3A_59 : memref<128x64xf32, #tpu.memory_space<hbm>>) target_semaphore(%run_scoped3A : memref<!tpu.dma_semaphore, #tpu.memory_space<semaphore_mem>>)
      %dma_wait3A = arith.constant 0 : i32
      %dma_wait3A_60 = tpu.memref_slice %arg4[%mul3A_55, %dma_wait3A] : memref<4096x64xf32, #tpu.memory_space<hbm>> -> memref<128x64xf32, #tpu.memory_space<hbm>>
      %dma_wait3A_61 = arith.constant 0 : i32
      %dma_wait3A_62 = tpu.memref_slice %arg4[%mul3A_55, %dma_wait3A_61] : memref<4096x64xf32, #tpu.memory_space<hbm>> -> memref<128x64xf32, #tpu.memory_space<hbm>>
      tpu.wait_dma2 semaphore(%run_scoped3A : memref<!tpu.dma_semaphore, #tpu.memory_space<semaphore_mem>>) src(%arg7 : memref<128x64xf32, #tpu.memory_space<vmem>>) dst(%dma_wait3A_62 : memref<128x64xf32, #tpu.memory_space<hbm>>)
      tpu.yield
    }) : () -> ()
    return
  }
}

module attributes {stable_mosaic.version = 14 : i64} {
  func.func @_tr_body(%arg0: i32, %arg1: memref<64x16384xf32, #tpu.memory_space<vmem>>, %arg2: memref<16384x64xf32, #tpu.memory_space<vmem>>) attributes {dimension_semantics = [#tpu.dimension_semantics<arbitrary>], iteration_bounds = array<i64: 62>, scalar_prefetch = 0 : i64, scratch_operands = 0 : i64, tpu.core_type = #tpu.core_type<tc>, window_params = [{transform_indices = @transform_0, window_bounds = array<i64: 64, 16384>}, {transform_indices = @transform_1, window_bounds = array<i64: 16384, 64>}]} {
    %get3A = arith.constant 0 : index
    %get3A_0 = arith.constant 0 : index
    %get3A_1 = vector.load %arg1[%get3A, %get3A_0] : memref<64x16384xf32, #tpu.memory_space<vmem>>, vector<64x16384xf32>
    %transpose3A = tpu.transpose %get3A_1, [1, 0] : vector<64x16384xf32> -> vector<16384x64xf32>
    %swap3A = arith.constant 0 : index
    %swap3A_2 = arith.constant 0 : index
    %swap3A_3 = vector.load %arg2[%swap3A, %swap3A_2] : memref<16384x64xf32, #tpu.memory_space<vmem>>, vector<16384x64xf32>
    tpu.vector_store %arg2[%swap3A, %swap3A_2], %transpose3A {strides = array<i32>} : memref<16384x64xf32, #tpu.memory_space<vmem>>, vector<16384x64xf32>,
    return
  }
  func.func @transform_0(%arg0: i32) -> (i32, i32) {
    %c0_i32 = arith.constant 0 : i32
    %c0_i32_0 = arith.constant 0 : i32
    return %c0_i32, %arg0 : i32, i32
  }
  func.func @transform_1(%arg0: i32) -> (i32, i32) {
    %c0_i32 = arith.constant 0 : i32
    %c0_i32_0 = arith.constant 0 : i32
    return %arg0, %c0_i32 : i32, i32
  }
}

module attributes {stable_mosaic.version = 14 : i64} {
  func.func @_tc_head_body(%arg0: memref<4096x64xf32, #tpu.memory_space<vmem>>, %arg1: memref<100x64xf32, #tpu.memory_space<vmem>>, %arg2: memref<1x100xf32, #tpu.memory_space<vmem>>, %arg3: memref<4096x1xi32, #tpu.memory_space<vmem>>, %arg4: memref<1x1xf32, #tpu.memory_space<smem>>, %arg5: memref<4096x100xf32, #tpu.memory_space<vmem>>) attributes {dimension_semantics = [], scalar_prefetch = 0 : i64, scratch_operands = 0 : i64, tpu.core_type = #tpu.core_type<tc>} {
    %get3A = arith.constant 0 : index
    %get3A_0 = arith.constant 0 : index
    %get3A_1 = vector.load %arg0[%get3A, %get3A_0] : memref<4096x64xf32, #tpu.memory_space<vmem>>, vector<4096x64xf32>
    %mul3A = arith.constant 5.000000e-03 : f32
    %mul3A_2 = vector.broadcast %mul3A : f32 to vector<4096x64xf32>
    %mul3A_3 = arith.mulf %get3A_1, %mul3A_2 : vector<4096x64xf32>
    %get3A_4 = arith.constant 0 : index
    %get3A_5 = arith.constant 0 : index
    %get3A_6 = vector.load %arg1[%get3A_4, %get3A_5] : memref<100x64xf32, #tpu.memory_space<vmem>>, vector<100x64xf32>
    %dot_general3A = arith.constant dense<0.000000e+00> : vector<4096x100xf32>
    %dot_general3A_7 = tpu.matmul %mul3A_3, %get3A_6, %dot_general3A {dimension_numbers = #tpu.dot_dimension_numbers<[1], [1], [0], [0], [0, 0, 1, 0], [], []>, transpose_lhs_hint = false} : vector<4096x64xf32>, vector<100x64xf32>, vector<4096x100xf32> -> vector<4096x100xf32>
    %get3A_8 = arith.constant 0 : index
    %get3A_9 = arith.constant 0 : index
    %get3A_10 = vector.load %arg2[%get3A_8, %get3A_9] : memref<1x100xf32, #tpu.memory_space<vmem>>, vector<1x100xf32>
    %add3A = vector.broadcast %get3A_10 : vector<1x100xf32> to vector<4096x100xf32>
    %add3A_11 = arith.addf %dot_general3A_7, %add3A : vector<4096x100xf32>
    %swap3A = arith.constant 0 : index
    %swap3A_12 = arith.constant 0 : index
    %swap3A_13 = vector.load %arg5[%swap3A, %swap3A_12] : memref<4096x100xf32, #tpu.memory_space<vmem>>, vector<4096x100xf32>
    tpu.vector_store %arg5[%swap3A, %swap3A_12], %add3A_11 {strides = array<i32>} : memref<4096x100xf32, #tpu.memory_space<vmem>>, vector<4096x100xf32>,
    %reduce_max3A = arith.constant dense<0xFF800000> : vector<4096xf32>
    %reduce_max3A_14 = vector.multi_reduction <maximumf>, %add3A_11, %reduce_max3A [1] : vector<4096x100xf32> to vector<4096xf32>
    %broadcast_in_dim3A = vector.shape_cast %reduce_max3A_14 : vector<4096xf32> to vector<4096x1xf32>
    %sub3A = vector.broadcast %broadcast_in_dim3A : vector<4096x1xf32> to vector<4096x100xf32>
    %sub3A_15 = arith.subf %add3A_11, %sub3A : vector<4096x100xf32>
    %exp3A = math.exp %sub3A_15 : vector<4096x100xf32>
    %reduce_sum3A = arith.constant dense<0.000000e+00> : vector<4096xf32>
    %reduce_sum3A_16 = vector.multi_reduction <add>, %exp3A, %reduce_sum3A [1] : vector<4096x100xf32> to vector<4096xf32>
    %broadcast_in_dim3A_17 = vector.shape_cast %reduce_sum3A_16 : vector<4096xf32> to vector<4096x1xf32>
    %log3A = math.log %broadcast_in_dim3A_17 : vector<4096x1xf32>
    %add3A_18 = arith.addf %log3A, %broadcast_in_dim3A : vector<4096x1xf32>
    %iota3A = tpu.iota {dimensions = array<i32: 1>} : vector<4096x100xi32>
    %get3A_19 = arith.constant 0 : index
    %get3A_20 = arith.constant 0 : index
    %get3A_21 = vector.load %arg3[%get3A_19, %get3A_20] : memref<4096x1xi32, #tpu.memory_space<vmem>>, vector<4096x1xi32>
    %eq3A = vector.broadcast %get3A_21 : vector<4096x1xi32> to vector<4096x100xi32>
    %eq3A_22 = arith.cmpi eq, %iota3A, %eq3A : vector<4096x100xi32>
    %jit3A = arith.constant 0.000000e+00 : f32
    %broadcast_in_dim3A_23 = vector.broadcast %jit3A : f32 to vector<4096x100xf32>
    %select_n3A = arith.select %eq3A_22, %add3A_11, %broadcast_in_dim3A_23 : vector<4096x100xi1>, vector<4096x100xf32>
    %reduce_sum3A_24 = arith.constant dense<0.000000e+00> : vector<4096xf32>
    %reduce_sum3A_25 = vector.multi_reduction <add>, %select_n3A, %reduce_sum3A_24 [1] : vector<4096x100xf32> to vector<4096xf32>
    %broadcast_in_dim3A_26 = vector.shape_cast %reduce_sum3A_25 : vector<4096xf32> to vector<4096x1xf32>
    %sub3A_27 = arith.subf %add3A_18, %broadcast_in_dim3A_26 : vector<4096x1xf32>
    %reduce_sum3A_28 = vector.shape_cast %sub3A_27 : vector<4096x1xf32> to vector<1x4096x1xf32>
    %reduce_sum3A_29 = arith.constant dense<0.000000e+00> : vector<1xf32>
    %reduce_sum3A_30 = vector.multi_reduction <add>, %reduce_sum3A_28, %reduce_sum3A_29 [1, 2] : vector<1x4096x1xf32> to vector<1xf32>
    %reduce_sum3A_31 = vector.shape_cast %reduce_sum3A_30 : vector<1xf32> to vector<1x1x1xf32>
    %reduce_sum3A_32 = vector.extract %reduce_sum3A_31[0, 0, 0] : f32 from vector<1x1x1xf32>
    %div3A = arith.constant 4.096000e+03 : f32
    %div3A_33 = arith.divf %reduce_sum3A_32, %div3A : f32
    %swap3A_34 = arith.constant 0 : index
    %swap3A_35 = arith.constant 0 : index
    %swap3A_36 = memref.load %arg4[%swap3A_34, %swap3A_35] : memref<1x1xf32, #tpu.memory_space<smem>>
    memref.store %div3A_33, %arg4[%swap3A_34, %swap3A_35] : memref<1x1xf32, #tpu.memory_space<smem>>
    return
  }
}

</mosaic_0001>

<sc_bundles>
// kernel: kernel.5.cloned.1.call-start
scs
__scs_entry_jumppad:
0x0: {  	(pc) =	sbr.rel $0x88, $3  }
0x1: {  	(tag) =	ssettag $0x0;
	lr =	simm.s32 $0x1  }
0x2: {  	[smem:$0x3F9C] =	sst lr;
	_ =	strace $0xD0000000  }
0x3: {  	_ = 	snop  }
0x4: {  	_ = 	snop  }
0x5: {  	_ = 	snop  }
0x6: {  	_ = 	snop  }
0x7: {  	_ = 	snop  }
__scs_overlays_trampoline_lowered:
0x8: {  	[smem:$0x3FAB] =	sst s0  }
0x9: {  	[smem:$0x3FAC] =	sst s1  }
0xa: {  	[smem:$0x3FAD] =	sst s2  }
0xb: {  	[smem:$0x3FAE] =	sst s3  }
0xc: {  	[smem:$0x3FAF] =	sst s4  }
0xd: {  	[smem:$0x3FB0] =	sst s5  }
0xe: {  	[smem:$0x3FB1] =	sst s6  }
0xf: {  	[smem:$0x3FB2] =	sst s7  }
0x10: {  	[smem:$0x3FB3] =	sst s8  }
0x11: {  	[smem:$0x3FB4] =	sst s9;
	s0 =	simm.s32 @!p0 $0x0  }
0x12: {  	s1 =	sld [smem:$0x3F9A];
	s0 =	simm.s32 @p0 $0x1  }
0x13: {  	[smem:$0x3FB5] =	sst s0;
	s0 =	simm.s32 @!p1 $0x0  }
0x14: {  	s2 =	sld [smem:$0x3F99];
	s0 =	simm.s32 @p1 $0x1  }
0x15: {  	[smem:$0x3FB6] =	sst s0;
	s0 =	simm.s32 @!p2 $0x0  }
0x16: {  	s3 =	sld [smem:$0x3FDB];
	s0 =	simm.s32 @p2 $0x1  }
0x17: {  	s4 =	simm.s32 $0x1BF5;
	[smem:$0x3FB8] =	sst s0  }
0x18: {  	s0 =	sld [smem:$0x3F9B];
	_ =	swait.ge [sflag:s4], $0x0  }
0x19: {  	s7 =	sld [smem:$0x3F9C]  }
0x1a: {  	s8 =	sadd.s32 $0xFFFFE003, lr  }
0x1b: {  	s9 =	sadd.s32 $0xFFFFFEF7, lr;
	s5 =	simm.s32 $0xFFFFFFFF;
	p2 =	slt.u32 s8, $0xFFFFF086  }
0x1c: {  	p1 =	slt.u32 s9, $0xF7A;
	s5 =	simm.s32 @!p2 $0x0  }
0x1d: {  	s5 =	simm.s32 @p1 $0x1;
	p0 =	seq.s32 s7, s2  }
0x1e: {  	s7 =	smul.u32 @!p0 $0xF7A, s2;
	p2 =	seq.s32 @!p0 s5, $0x0  }
0x1f: {  	s9 =	smul.u32 $0xF7A, s1;
	s8 =	simm.s32 @!p0 $0x1BF5;
	p2 =	por !p2, p0  }
0x20: {  	[sflag:s8] =	ssyncset.s32 @!p0 $0xFFFFF086;
	s6 =	sadd.s32 @!p0 s3, s7;
	s7 =	simm.s32 @!p0 $0x108  }
0x21: {  	s3 =	sadd.s32 s3, s9;
	s6 =	sadd.s32 @!p0 $0x88, s6;
	s7 =	simm.s32 @p2 $0x1082  }
0x22: {  	[simem:s7], [sflag:s8] =	dma.local @!p0 [hbm:s6], $0xF7A  }
0x23: {  	s9 =	sor.u32 $0xD0000000, s2;
	s6 =	simm.s32 $0x108;
	_ =	swait.ge @!p0 [sflag:s8], $0x0  }
0x24: {  	s3 =	sadd.s32 $0x88, s3;
	s6 =	simm.s32 @!p1 $0x1082;
	[sflag:s4] =	ssyncset.s32 $0xFFFFF086  }
0x25: {  	[simem:s6], [sflag:s4] =	dma.local [hbm:s3], $0xF7A  }
0x26: {  	[smem:$0x3F9C] =	sst s1;
	(tag) =	ssettag s2;
	_ =	strace s9  }
0x27: {  	s1 =	sld [smem:$0x3FAC]  }
0x28: {  	s2 =	sld [smem:$0x3FAD]  }
0x29: {  	s4 =	sld [smem:$0x3FAF]  }
0x2a: {  	p0 =	seq.s32 s5, $0x0;
	s5 =	sld [smem:$0x3FB0]  }
0x2b: {  	s6 =	sld [smem:$0x3FB1]  }
0x2c: {  	s7 =	sld [smem:$0x3FB2]  }
0x2d: {  	s3 =	simm.s32 $0x108;
	s8 =	sld [smem:$0x3FB3]  }
0x2e: {  	s3 =	simm.s32 @!p0 $0x1082;
	s9 =	sld [smem:$0x3FB4]  }
0x2f: {  	lr =	sadd.s32 s0, s3;
	s0 =	sld [smem:$0x3FAB]  }
0x30: {  	s3 =	sld [smem:$0x3FAE]  }
0x31: {  	[smem:$0x3FB7] =	sst s10  }
0x32: {  	s10 =	sld [smem:$0x3FB5];
	_ =	sdelay $0x3  }
0x33: {  	p0 =	seq.s32 s10, $0x1;
	s10 =	sld [smem:$0x3FB7];
	_ =	sdelay $0x3  }
0x34: {  	[smem:$0x3FB7] =	sst s10  }
0x35: {  	s10 =	sld [smem:$0x3FB6];
	_ =	sdelay $0x3  }
0x36: {  	p1 =	seq.s32 s10, $0x1;
	s10 =	sld [smem:$0x3FB7];
	_ =	sdelay $0x3  }
0x37: {  	[smem:$0x3FB7] =	sst s10  }
0x38: {  	s10 =	sld [smem:$0x3FB8]  }
0x39: {  	_ = 	snop;
	(pc) =	sbr.ind lr, $3  }
0x3a: {  	_ = 	snop  }
0x3b: {  	_ = 	snop  }
0x3c: {  	p2 =	seq.s32 s10, $0x1;
	s10 =	sld [smem:$0x3FB7]  }
0x3d: {  	_ =	shalt  }
0x3e: {  	_ =	shalt  }
0x3f: {  	_ =	shalt  }
0x40: {  	_ =	shalt  }
0x41: {  	_ =	shalt  }
0x42: {  	_ =	shalt  }
0x43: {  	_ =	shalt  }
0x44: {  	_ =	shalt  }
0x45: {  	_ =	shalt  }
0x46: {  	_ =	shalt  }
0x47: {  	_ =	shalt  }
0x48: {  	_ =	shalt  }
0x49: {  	_ =	shalt  }
0x4a: {  	_ =	shalt  }
0x4b: {  	_ =	shalt  }
0x4c: {  	_ =	shalt  }
0x4d: {  	_ =	shalt  }
0x4e: {  	_ =	shalt  }
0x4f: {  	_ =	shalt  }
0x50: {  	_ =	shalt  }
0x51: {  	_ =	shalt  }
0x52: {  	_ =	shalt  }
0x53: {  	_ =	shalt  }
0x54: {  	_ =	shalt  }
0x55: {  	_ =	shalt  }
0x56: {  	_ =	shalt  }
0x57: {  	_ =	shalt  }
0x58: {  	_ =	shalt  }
0x59: {  	_ =	shalt  }
0x5a: {  	_ =	shalt  }
0x5b: {  	_ =	shalt  }
0x5c: {  	_ =	shalt  }
0x5d: {  	_ =	shalt  }
0x5e: {  	_ =	shalt  }
0x5f: {  	_ =	shalt  }
0x60: {  	_ =	shalt  }
0x61: {  	_ =	shalt  }
0x62: {  	_ =	shalt  }
0x63: {  	_ =	shalt  }
0x64: {  	_ =	shalt  }
0x65: {  	_ =	shalt  }
0x66: {  	_ =	shalt  }
0x67: {  	_ =	shalt  }
0x68: {  	_ =	shalt  }
0x69: {  	_ =	shalt  }
0x6a: {  	_ =	shalt  }
0x6b: {  	_ =	shalt  }
0x6c: {  	_ =	shalt  }
0x6d: {  	_ =	shalt  }
0x6e: {  	_ =	shalt  }
0x6f: {  	_ =	shalt  }
0x70: {  	_ =	shalt  }
0x71: {  	_ =	shalt  }
0x72: {  	_ =	shalt  }
0x73: {  	_ =	shalt  }
0x74: {  	_ =	shalt  }
0x75: {  	_ =	shalt  }
0x76: {  	_ =	shalt  }
0x77: {  	_ =	shalt  }
0x78: {  	_ =	shalt  }
0x79: {  	_ =	shalt  }
0x7a: {  	_ =	shalt  }
0x7b: {  	_ =	shalt  }
0x7c: {  	_ =	shalt  }
0x7d: {  	_ =	shalt  }
0x7e: {  	_ =	shalt  }
0x7f: {  	_ =	shalt  }
0x80: {  	_ =	shalt  }
0x81: {  	_ =	shalt  }
0x82: {  	_ =	shalt  }
0x83: {  	_ =	shalt  }
0x84: {  	_ =	shalt  }
0x85: {  	_ =	shalt  }
0x86: {  	_ =	shalt  }
0x87: {  	_ =	shalt  }
.Lfunc_end0:
.L_simem_size_0:
called_computation_lowered:
.L_overlay_start_0:
0x88: {  	s2 =	sld [smem:$0x3FD9]  }
0x89: {  	s3 =	sld [smem:$0x3FFE];
	_ =	sdelay $0x1  }
0x8a: {  	s1 =	srdreg.scid  }
0x8b: {  	s0 =	sand.u32 $0x1, s1  }
0x8c: {  	s14 =	sshll.u32 s0, $0xA;
	s2 =	sadd.s32 s3, s2  }
0x8d: {  	s2 =	sadd.s32 s2, s14  }
0x8e: {  	[smem:$0x3FC3] =	sst s2  }
0x8f: {  	_ = 	snop  }
0x90: {  	s2 =	sld [smem:$0x3FD0];
	_ =	sdelay $0x2  }
0x91: {  	s15 =	simm.s32 $0xA;
	s4 =	simm.s32 $0x10  }
0x92: {  	[smem:s4], [sflag:s15] =	dma.local [hbm:s2], $0x1  }
0x93: {  	_ =	swait.eq [sflag:s15], $0x1  }
0x94: {  	[sflag:s15] =	ssyncset.done $0x0  }
0x95: {  	[sflag:s15] =	ssyncadd.s32 $0xFFFFFFFF  }
0x96: {  	s16 =	sld [smem:$0x11];
	(tm) =	ssettm $0x1  }
0x97: {  	s17 =	sld [smem:$0x3FFB];
	_ =	sdelay $0x3  }
0x98: {  	_ =	strace s17  }
0x99: {  	s3 =	sld [smem:$0x3FFC];
	_ =	sdelay $0x3  }
0x9a: {  	_ =	strace s3  }
0x9b: {  	s3 =	sld [smem:$0x3FFD];
	_ =	sdelay $0x3  }
0x9c: {  	_ =	strace s3  }
0x9d: {  	_ =	strace $0x8FFFFFFF  }
0x9e: {  	s18 =	sld [smem:$0x3FDB];
	_ =	sdelay $0x1  }
0x9f: {  	s19 =	simm.s32 $_scs_section_size  }
0xa0: {  	s5 =	simm.s32 $_size__tile_overlayer_lowered;
	s6 =	simm.s32 $_tile_overlayer_lowered  }
0xa1: {  	s22 =	simm.s32 $0x1BFF;
	s21 =	sshll.u32 s6, $0x1;
	s3 =	sadd.s32 s19, s18  }
0xa2: {  	s7 =	simm.s32 $0x0;
	s20 =	sshll.u32 s5, $0x1;
	s5 =	sadd.s32 s21, s3  }
0xa3: {  	[timem:s7], [sflag:s22] =	dma.local [hbm:s5], s20  }
0xa4: {  	_ =	swait.ge [sflag:s22], s20  }
0xa5: {  	s4 =	ssub.s32 $0x0, s20;
	[sflag:s22] =	ssyncset.done $0x0  }
0xa6: {  	[sflag:s22] =	ssyncadd.s32 s4;
	_ =	sdelay $0x1  }
0xa7: {  	s23 =	simm.s32 $0x1B8B  }
0xa8: {  	_ =	swait.ge [sflag:s23], $0x1  }
0xa9: {  	[sflag:s23] =	ssyncset.done $0x0  }
0xaa: {  	s25 =	simm.s32 $0x1B8E;
	s24 =	sld [smem:$0x3FFE];
	[sflag:s23] =	ssyncadd.s32 $0xFFFFFFFF  }
0xab: {  	s26 =	simm.s32 $execute0_lowered;
	[smem:$0x3FD2] =	sst s25  }
0xac: {  	s5 =	sshll.u32 s26, $0x1;
	_ =	strace $0x80000046;
	[dreg:$0x1] =	wrdreg $0xFFFFFFFF  }
0xad: {  	s28 =	simm.s32 $_size_execute0_lowered;
	s3 =	sadd.s32 s3, s5;
	[dreg:$0x0] =	wrdreg $0x0  }
0xae: {  	s5 =	sshll.u32 s28, $0x1;
	[dreg:$0x2] =	wrdreg s3  }
0xaf: {  	[dreg:$0x3] =	wrdreg s5  }
0xb0: {  	[dreg:$0x4] =	wrdreg $0xC0  }
0xb1: {  	_ =	task [dreg:s7], $0x5FFFF  }
0xb2: {  	[dreg:$0x1] =	wrdreg $0xFFFFFFFF  }
0xb3: {  	[dreg:$0x0] =	wrdreg $0x60  }
0xb4: {  	[dreg:$0x2] =	wrdreg s24  }
0xb5: {  	[dreg:$0x3] =	wrdreg s16  }
0xb6: {  	[dreg:$0x4] =	wrdreg $0x9  }
0xb7: {  	_ =	task.clear_ibuf [dreg:s7], $0x5FFFF;
	_ =	strace $0x90000046  }
0xb8: {  	s29 =	simm.s32 $0x9;
	_ =	strace $0x80000048  }
0xb9: {  	_ =	swait.ge [sflag:s29], $0x1  }
0xba: {  	[sflag:s29] =	ssyncadd.s32 $0xFFFFFFFF  }
0xbb: {  	_ =	strace $0x90000048  }
0xbc: {  	_ =	sfence  }
0xbd: {  	s30 =	sld [smem:$0x0];
	_ =	sdelay $0x2  }
0xbe: {  	s31 =	sshll.u32 s1, $0xD;
	s1 =	sshrl.u32 s1, $0x2  }
0xbf: {  	s3 =	sand.u32 $0x4000, s31;
	s1 =	sadd.s32 s1, s30  }
0xc0: {  	s0 =	sor.u32 s3, s0;
	s1 =	sshll.u32 s1, $0x11  }
0xc1: {  	s0 =	sor.u32 s1, s0  }
0xc2: {  	s0 =	sadd.s32 $0x8F2B, s0  }
0xc3: {  	[sflag:s0] =	ssyncadd.remote.s32 $0x1  }
0xc4: {  	_ =	sfence.sel $0xFFFF  }
0xc5: {  	[dreg:$0x0] =	wrdreg $0xFFFFFFFF;
	(pc) =	sbr.abs _section_cstart, $3  }
0xc6: {  	[dreg:$0x1] =	wrdreg $0xFFFFFFFF  }
0xc7: {  	_ =	task.clear_ibuf [dreg:s7], $0x2FFFF;
	_ =	strace $0x9FFFFFFF  }
0xc8: {  	(tm) =	ssettm $0x7FFFFFFF  }
0xc9: {  	_ =	shalt  }
tec
execute0_lowered:
.L_overlay_start_1:
0x0: {  	(tag) =	ssettag $0x1  }
0x1: {  	s1 =	srdreg.scid  }
0x2: {  	s0 =	stileid.u32;
	s3 =	rddreg [dreg:$0x0]  }
0x3: {  	s5 =	rddreg [dreg:$0x1];
	s2 =	simm.s32 $0x0;
	s9 =	simm.s32 $0x6800  }
0x4: {  	s10 =	simm.s32 $0x68;
	s11 =	simm.s32 $0x8100;
	s12 =	simm.s32 $0xD0  }
0x5: {  	s13 =	simm.s32 $0x9A00;
	s14 =	simm.s32 $0x138;
	s15 =	simm.s32 $0xB300  }
0x6: {  	s16 =	simm.s32 $0x1;
	s17 =	simm.s32 $0x2;
	s18 =	simm.s32 $0x3  }
0x7: {  	s19 =	simm.s32 $0x4;
	s20 =	simm.s32 $0xCC00;
	s21 =	simm.s32 $0x0  }
0x8: {  	s4 =	sand.u32 $0x1, s1;
	s31 =	sshll.u32 s0, $0x1;
	s1 =	rddreg [dreg:$0x2]  }
0x9: {  	[smem:$0x7FF] =	sst s2;
	s6 =	sor.u32 s4, s31;
	s4 =	ssub.s32 $0x2, s4  }
0xa: {  	s7 =	smul.u32 $0xD00, s6;
	s8 =	sshrl.u32 s4, $0x1;
	s6 =	sshll.u32 s6, $0xA  }
0xb: {  	_ =	strace $0x80000047;
	s8 =	ssub.s32 s4, s8;
	s5 =	sadd.s32 s5, s6  }
0xc: {  	s7 =	sadd.s32 s7, s3;
	s3 =	sadd.s32 $0xF43200, s3;
	s6 =	smax.u32 s8, $0x1  }
0xd: {  	s8 =	simm.s32 $0x64;
	s4 =	sadd.s32 $0xE00, s7;
	s7 =	simm.s32 $0x5  }
.LBB2_1:
0xe: {  	[tilespmem:s2], [sflag:$0x5] =	stream.linear.gather [hbm4b:s4+s2], $0x6800, $0x38;
	[tilespmem:$0xEC00] =	vst v63  }
0xf: {  	_ =	swait.ge [sflag:s7], $0x6800  }
0x10: {  	[sflag:s7] =	ssyncset.done $0x0  }
0x11: {  	[sflag:s7] =	ssyncadd.s32 $0xFFFF9800  }
0x12: {  	[tilespmem:s9], [sflag:$0x1] =	stream.indirect.gather [hbm4b:s3+s8], $0x40, s2, s8, $0xb8;
	[tilespmem:$0xEC00] =	vst v63  }
0x13: {  	_ = 	snop  }
0x14: {  	[tilespmem:s11], [sflag:$0x2] =	stream.indirect.gather [hbm4b:s3+s8], $0x40, s10, s8, $0xb8;
	[tilespmem:$0xEC00] =	vst v63  }
0x15: {  	_ = 	snop  }
0x16: {  	[tilespmem:s13], [sflag:$0x3] =	stream.indirect.gather [hbm4b:s3+s8], $0x40, s12, s8, $0xb8;
	[tilespmem:$0xEC00] =	vst v63  }
0x17: {  	s22 =	simm.s32 $0x0  }
0x18: {  	[tilespmem:s15], [sflag:$0x4] =	stream.indirect.gather [hbm4b:s3+s8], $0x40, s14, s8, $0xb8;
	[tilespmem:$0xEC00] =	vst v63  }
.LBB2_2:
0x19: {  	p0 =	seq.s32 s22, $0x3F  }
0x1a: {  	s23 =	smul.u32 @!p0 $0x680, s22  }
0x1b: {  	_ =	swait.ge [sflag:s16], $0x1900;
	s31 =	simm.s32 $0x6880  }
0x1c: {  	[sflag:s16] =	ssyncset.done $0x0;
	s25 =	simm.s32 @!p0 $0x64;
	s23 =	sshra.s32 @!p0 s23, $0x2  }
0x1d: {  	s26 =	simm.s32 @!p0 $0x6800;
	[sflag:s16] =	ssyncadd.s32 $0xFFFFE700;
	s24 =	sadd.s32 @!p0 $0x1A0, s23  }
0x1e: {  	[tilespmem:s26], [sflag:$0x1] =	stream.indirect.gather @!p0 [hbm4b:s3+s25], $0x40, s24, s25, $0xb8;
	[tilespmem:$0xEC00] =	vst v63  }
0x1f: {  	v0 =	vld [tilespmem:s31+$0x40]  }
0x20: {  	v1 =	vld [tilespmem:s31+$0x50]  }
0x21: {  	v2 =	vld [tilespmem:s31+$0x0]  }
0x22: {  	v3 =	vld [tilespmem:s31+$0x10]  }
0x23: {  	v4 =	vld [tilespmem:s31+$0xFFFFFFC0]  }
0x24: {  	v5 =	vld [tilespmem:s31+$0xFFFFFFD0]  }
0x25: {  	v6 =	vld [tilespmem:s31+$0xFFFFFF80]  }
0x26: {  	v7 =	vld [tilespmem:s31+$0xFFFFFF90]  }
0x27: {  	v9 =	vld [tilespmem:s31+$0xFFFFFFA0]  }
0x28: {  	v12 =	vld [tilespmem:s31+$0xFFFFFFB0]  }
0x29: {  	v11 =	vld [tilespmem:s31+$0xFFFFFFE0]  }
0x2a: {  	v13 =	vld [tilespmem:s31+$0xFFFFFFF0]  }
0x2b: {  	v15 =	vimm.f32 $0.0e+00;
	v8 =	vld [tilespmem:s31+$0x20]  }
0x2c: {  	v10 =	vld [tilespmem:s31+$0x30];
	v6 =	vadd.f32 v6, v15;
	v7 =	vadd.f32 v7, v15  }
0x2d: {  	v14 =	vadd.f32 v9, v15;
	v15 =	vadd.f32 v12, v15;
	v9 =	vld [tilespmem:s31+$0x60]  }
0x2e: {  	s24 =	simm.s32 $0x0;
	s25 =	simm.s32 $0x6980;
	v12 =	vld [tilespmem:s31+$0x70];
	v16 =	vadd.f32 v4, v6;
	v17 =	vadd.f32 v5, v7  }
.LBB2_3:
0x2f: {  	v4 =	vld [tilespmem:s25+$0x40];
	v5 =	vadd.f32 v11, v14;
	v6 =	vadd.f32 v13, v15  }
0x30: {  	v7 =	vld [tilespmem:s25+$0x50];
	v11 =	vadd.f32 v2, v16;
	v13 =	vadd.f32 v3, v17  }
0x31: {  	v2 =	vld [tilespmem:s25+$0x0];
	v5 =	vadd.f32 v8, v5;
	v6 =	vadd.f32 v10, v6  }
0x32: {  	v3 =	vld [tilespmem:s25+$0x10];
	v10 =	vadd.f32 v0, v11;
	v14 =	vadd.f32 v1, v13  }
0x33: {  	v16 =	vld [tilespmem:s25+$0xFFFFFFC0];
	v5 =	vadd.f32 v9, v5;
	v6 =	vadd.f32 v12, v6  }
0x34: {  	v12 =	vld [tilespmem:s25+$0xFFFFFFD0];
	v0 =	vmov v4  }
0x35: {  	v4 =	vld [tilespmem:s25+$0xFFFFFF80];
	v1 =	vmov v7  }
0x36: {  	v7 =	vld [tilespmem:s25+$0xFFFFFF90]  }
0x37: {  	v9 =	vld [tilespmem:s25+$0xFFFFFFA0]  }
0x38: {  	s24 =	sadd.s32 $0x4, s24;
	v15 =	vld [tilespmem:s25+$0xFFFFFFB0]  }
0x39: {  	p1 =	slt.u32 s24, $0x60;
	v11 =	vld [tilespmem:s25+$0xFFFFFFE0]  }
.Ltmp0:
0x3a: {  	v13 =	vld [tilespmem:s25+$0xFFFFFFF0];
	(pc) =	sbr.rel @p1 .LBB2_3-.Ltmp0, $4  }
0x3b: {  	v8 =	vld [tilespmem:s25+$0x20]  }
0x3c: {  	v4 =	vadd.f32 v4, v10;
	v7 =	vadd.f32 v7, v14;
	v10 =	vld [tilespmem:s25+$0x30]  }
0x3d: {  	v14 =	vadd.f32 v9, v5;
	v15 =	vadd.f32 v15, v6;
	v9 =	vld [tilespmem:s25+$0x60]  }
0x3e: {  	v16 =	vadd.f32 v16, v4;
	v17 =	vadd.f32 v12, v7;
	v12 =	vld [tilespmem:s25+$0x70];
	s25 =	sadd.s32 $0x100, s25  }
0x3f: {  	_ =	swait.ge [sflag:s17], $0x1900  }
0x40: {  	s24 =	sadd.s32 @!p0 $0x208, s23;
	s25 =	simm.s32 @!p0 $0x64;
	[sflag:s17] =	ssyncset.done $0x0  }
0x41: {  	s26 =	simm.s32 @!p0 $0x8100;
	s31 =	simm.s32 $0x81F0;
	[sflag:s17] =	ssyncadd.s32 $0xFFFFE700  }
0x42: {  	[tilespmem:s26], [sflag:$0x2] =	stream.indirect.gather @!p0 [hbm4b:s3+s25], $0x40, s24, s25, $0xb8;
	[tilespmem:$0xEC00] =	vst v63  }
0x43: {  	v4 =	vld [tilespmem:s31+$0xFFFFFFD0]  }
0x44: {  	v5 =	vld [tilespmem:s31+$0xFFFFFFE0]  }
0x45: {  	v6 =	vld [tilespmem:s31+$0xFFFFFF90]  }
0x46: {  	v7 =	vld [tilespmem:s31+$0xFFFFFFA0]  }
0x47: {  	v18 =	vld [tilespmem:s31+$0xFFFFFF50]  }
0x48: {  	v19 =	vld [tilespmem:s31+$0xFFFFFF60]  }
0x49: {  	v20 =	vld [tilespmem:s31+$0xFFFFFF10]  }
0x4a: {  	v21 =	vld [tilespmem:s31+$0xFFFFFF20]  }
0x4b: {  	v11 =	vadd.f32 v11, v14;
	v13 =	vadd.f32 v13, v15;
	v14 =	vld [tilespmem:s31+$0xFFFFFF30]  }
0x4c: {  	v15 =	vadd.f32 v2, v16;
	v3 =	vadd.f32 v3, v17;
	v63 =	vld [tilespmem:s31+$0xFFFFFF40]  }
0x4d: {  	v11 =	vadd.f32 v8, v11;
	v10 =	vadd.f32 v10, v13;
	v2 =	vld [tilespmem:s31+$0xFFFFFF70]  }
0x4e: {  	v13 =	vadd.f32 v0, v15;
	v1 =	vadd.f32 v1, v3;
	v8 =	vld [tilespmem:s31+$0xFFFFFF80]  }
0x4f: {  	v9 =	vadd.f32 v9, v11;
	v10 =	vadd.f32 v12, v10;
	v0 =	vld [tilespmem:s31+$0xFFFFFFB0]  }
0x50: {  	v3 =	vld [tilespmem:s31+$0xFFFFFFC0];
	v12 =	vadd.f32 v20, v13;
	v15 =	vadd.f32 v21, v1  }
0x51: {  	v11 =	vadd.f32 v14, v9;
	v10 =	vadd.f32 v63, v10;
	v1 =	vld [tilespmem:s31+$0xFFFFFFF0]  }
0x52: {  	s24 =	simm.s32 $0x0;
	s25 =	simm.s32 $0x82F0;
	v9 =	vld [tilespmem:s31+$0x0];
	v13 =	vadd.f32 v18, v12;
	v12 =	vadd.f32 v19, v15  }
.LBB2_5:
0x53: {  	v14 =	vld [tilespmem:s25+$0xFFFFFFD0];
	v2 =	vadd.f32 v2, v11;
	v8 =	vadd.f32 v8, v10  }
0x54: {  	v10 =	vld [tilespmem:s25+$0xFFFFFFE0];
	v11 =	vadd.f32 v6, v13;
	v12 =	vadd.f32 v7, v12  }
0x55: {  	v6 =	vld [tilespmem:s25+$0xFFFFFF90];
	v0 =	vadd.f32 v0, v2;
	v2 =	vadd.f32 v3, v8  }
0x56: {  	v7 =	vld [tilespmem:s25+$0xFFFFFFA0];
	v3 =	vadd.f32 v4, v11;
	v11 =	vadd.f32 v5, v12  }
0x57: {  	v12 =	vld [tilespmem:s25+$0xFFFFFF50];
	v1 =	vadd.f32 v1, v0;
	v9 =	vadd.f32 v9, v2  }
0x58: {  	v15 =	vld [tilespmem:s25+$0xFFFFFF60];
	v4 =	vmov v14  }
0x59: {  	v13 =	vld [tilespmem:s25+$0xFFFFFF10];
	v5 =	vmov v10  }
0x5a: {  	v10 =	vld [tilespmem:s25+$0xFFFFFF20]  }
0x5b: {  	v14 =	vld [tilespmem:s25+$0xFFFFFF30]  }
0x5c: {  	s24 =	sadd.s32 $0x4, s24;
	v16 =	vld [tilespmem:s25+$0xFFFFFF40]  }
0x5d: {  	p1 =	slt.u32 s24, $0x60;
	v2 =	vld [tilespmem:s25+$0xFFFFFF70]  }
.Ltmp1:
0x5e: {  	v8 =	vld [tilespmem:s25+$0xFFFFFF80];
	(pc) =	sbr.rel @p1 .LBB2_5-.Ltmp1, $4  }
0x5f: {  	v0 =	vld [tilespmem:s25+$0xFFFFFFB0]  }
0x60: {  	v13 =	vadd.f32 v13, v3;
	v17 =	vadd.f32 v10, v11;
	v3 =	vld [tilespmem:s25+$0xFFFFFFC0]  }
0x61: {  	v11 =	vadd.f32 v14, v1;
	v10 =	vadd.f32 v16, v9;
	v1 =	vld [tilespmem:s25+$0xFFFFFFF0]  }
0x62: {  	v13 =	vadd.f32 v12, v13;
	v12 =	vadd.f32 v15, v17;
	v9 =	vld [tilespmem:s25+$0x0];
	s25 =	sadd.s32 $0x100, s25  }
0x63: {  	_ = 	snop  }
0x64: {  	v2 =	vadd.f32 v2, v11;
	v6 =	vadd.f32 v6, v13  }
0x65: {  	v8 =	vadd.f32 v8, v10;
	v7 =	vadd.f32 v7, v12  }
0x66: {  	s24 =	sshll.u32 s22, $0x7;
	v0 =	vadd.f32 v0, v2;
	v2 =	vadd.f32 v4, v6  }
0x67: {  	s24 =	sand.u32 $0x3FFFFF80, s24;
	v3 =	vadd.f32 v3, v8;
	v4 =	vadd.f32 v5, v7  }
0x68: {  	v0 =	vadd.f32 v1, v0;
	[tilespmem:s24+$0xCC00] =	vst v2  }
0x69: {  	v1 =	vadd.f32 v9, v3;
	[tilespmem:s24+$0xCC10] =	vst v4  }
0x6a: {  	[tilespmem:s24+$0xCC20] =	vst v0  }
0x6b: {  	[tilespmem:s24+$0xCC30] =	vst v1  }
0x6c: {  	_ =	swait.ge [sflag:s18], $0x1900  }
0x6d: {  	s25 =	sadd.s32 @!p0 $0x270, s23;
	s26 =	simm.s32 @!p0 $0x64;
	[sflag:s18] =	ssyncset.done $0x0  }
0x6e: {  	s28 =	simm.s32 @!p0 $0x9A00;
	s31 =	simm.s32 $0x9AF0;
	[sflag:s18] =	ssyncadd.s32 $0xFFFFE700  }
0x6f: {  	[tilespmem:s28], [sflag:$0x3] =	stream.indirect.gather @!p0 [hbm4b:s3+s26], $0x40, s25, s26, $0xb8;
	[tilespmem:$0xEC00] =	vst v63  }
0x70: {  	v0 =	vld [tilespmem:s31+$0xFFFFFFD0]  }
0x71: {  	v1 =	vld [tilespmem:s31+$0xFFFFFFE0]  }
0x72: {  	v2 =	vld [tilespmem:s31+$0xFFFFFF90]  }
0x73: {  	v3 =	vld [tilespmem:s31+$0xFFFFFFA0]  }
0x74: {  	v4 =	vld [tilespmem:s31+$0xFFFFFF50]  }
0x75: {  	v5 =	vld [tilespmem:s31+$0xFFFFFF60]  }
0x76: {  	v6 =	vld [tilespmem:s31+$0xFFFFFF10]  }
0x77: {  	v7 =	vld [tilespmem:s31+$0xFFFFFF20]  }
0x78: {  	v9 =	vld [tilespmem:s31+$0xFFFFFF30]  }
0x79: {  	v12 =	vld [tilespmem:s31+$0xFFFFFF40]  }
0x7a: {  	v11 =	vld [tilespmem:s31+$0xFFFFFF70]  }
0x7b: {  	v13 =	vld [tilespmem:s31+$0xFFFFFF80]  }
0x7c: {  	v15 =	vimm.f32 $0.0e+00;
	v8 =	vld [tilespmem:s31+$0xFFFFFFB0]  }
0x7d: {  	v10 =	vld [tilespmem:s31+$0xFFFFFFC0];
	v6 =	vadd.f32 v6, v15;
	v7 =	vadd.f32 v7, v15  }
0x7e: {  	v14 =	vadd.f32 v9, v15;
	v15 =	vadd.f32 v12, v15;
	v9 =	vld [tilespmem:s31+$0xFFFFFFF0]  }
0x7f: {  	s25 =	simm.s32 $0x0;
	s26 =	simm.s32 $0x9BF0;
	v12 =	vld [tilespmem:s31+$0x0];
	v16 =	vadd.f32 v4, v6;
	v17 =	vadd.f32 v5, v7  }
.LBB2_7:
0x80: {  	v4 =	vld [tilespmem:s26+$0xFFFFFFD0];
	v5 =	vadd.f32 v11, v14;
	v6 =	vadd.f32 v13, v15  }
0x81: {  	v7 =	vld [tilespmem:s26+$0xFFFFFFE0];
	v11 =	vadd.f32 v2, v16;
	v13 =	vadd.f32 v3, v17  }
0x82: {  	v2 =	vld [tilespmem:s26+$0xFFFFFF90];
	v5 =	vadd.f32 v8, v5;
	v6 =	vadd.f32 v10, v6  }
0x83: {  	v3 =	vld [tilespmem:s26+$0xFFFFFFA0];
	v10 =	vadd.f32 v0, v11;
	v14 =	vadd.f32 v1, v13  }
0x84: {  	v16 =	vld [tilespmem:s26+$0xFFFFFF50];
	v5 =	vadd.f32 v9, v5;
	v6 =	vadd.f32 v12, v6  }
0x85: {  	v12 =	vld [tilespmem:s26+$0xFFFFFF60];
	v0 =	vmov v4  }
0x86: {  	v4 =	vld [tilespmem:s26+$0xFFFFFF10];
	v1 =	vmov v7  }
0x87: {  	v7 =	vld [tilespmem:s26+$0xFFFFFF20]  }
0x88: {  	v9 =	vld [tilespmem:s26+$0xFFFFFF30]  }
0x89: {  	s25 =	sadd.s32 $0x4, s25;
	v15 =	vld [tilespmem:s26+$0xFFFFFF40]  }
0x8a: {  	p1 =	slt.u32 s25, $0x60;
	v11 =	vld [tilespmem:s26+$0xFFFFFF70]  }
.Ltmp2:
0x8b: {  	v13 =	vld [tilespmem:s26+$0xFFFFFF80];
	(pc) =	sbr.rel @p1 .LBB2_7-.Ltmp2, $4  }
0x8c: {  	v8 =	vld [tilespmem:s26+$0xFFFFFFB0]  }
0x8d: {  	v4 =	vadd.f32 v4, v10;
	v7 =	vadd.f32 v7, v14;
	v10 =	vld [tilespmem:s26+$0xFFFFFFC0]  }
0x8e: {  	v14 =	vadd.f32 v9, v5;
	v15 =	vadd.f32 v15, v6;
	v9 =	vld [tilespmem:s26+$0xFFFFFFF0]  }
0x8f: {  	v16 =	vadd.f32 v16, v4;
	v17 =	vadd.f32 v12, v7;
	v12 =	vld [tilespmem:s26+$0x0];
	s26 =	sadd.s32 $0x100, s26  }
0x90: {  	_ =	swait.ge [sflag:s19], $0x1900  }
0x91: {  	s23 =	sadd.s32 @!p0 $0x2D8, s23;
	s25 =	simm.s32 @!p0 $0x64;
	[sflag:s19] =	ssyncset.done $0x0  }
0x92: {  	s26 =	simm.s32 @!p0 $0xB300;
	s31 =	simm.s32 $0xB300;
	[sflag:s19] =	ssyncadd.s32 $0xFFFFE700  }
0x93: {  	[tilespmem:s26], [sflag:$0x4] =	stream.indirect.gather @!p0 [hbm4b:s3+s25], $0x40, s23, s25, $0xb8;
	[tilespmem:$0xEC00] =	vst v63  }
0x94: {  	v4 =	vld [tilespmem:s31+$0xC0]  }
0x95: {  	v5 =	vld [tilespmem:s31+$0xD0]  }
0x96: {  	v6 =	vld [tilespmem:s31+$0x80]  }
0x97: {  	v7 =	vld [tilespmem:s31+$0x90]  }
0x98: {  	v18 =	vld [tilespmem:s31+$0x40]  }
0x99: {  	v19 =	vld [tilespmem:s31+$0x50]  }
0x9a: {  	v20 =	vld [tilespmem:s31+$0x0]  }
0x9b: {  	v21 =	vld [tilespmem:s31+$0x10]  }
0x9c: {  	v11 =	vadd.f32 v11, v14;
	v13 =	vadd.f32 v13, v15;
	v14 =	vld [tilespmem:s31+$0x20]  }
0x9d: {  	v15 =	vadd.f32 v2, v16;
	v3 =	vadd.f32 v3, v17;
	v63 =	vld [tilespmem:s31+$0x30]  }
0x9e: {  	v8 =	vadd.f32 v8, v11;
	v10 =	vadd.f32 v10, v13;
	v2 =	vld [tilespmem:s31+$0x60]  }
0x9f: {  	v11 =	vadd.f32 v0, v15;
	v1 =	vadd.f32 v1, v3;
	v3 =	vld [tilespmem:s31+$0x70]  }
0xa0: {  	v9 =	vadd.f32 v9, v8;
	v10 =	vadd.f32 v12, v10;
	v0 =	vld [tilespmem:s31+$0xA0]  }
0xa1: {  	v8 =	vld [tilespmem:s31+$0xB0];
	v12 =	vadd.f32 v20, v11;
	v15 =	vadd.f32 v21, v1  }
0xa2: {  	v11 =	vadd.f32 v14, v9;
	v10 =	vadd.f32 v63, v10;
	v1 =	vld [tilespmem:s31+$0xE0]  }
0xa3: {  	s23 =	simm.s32 $0x0;
	s25 =	simm.s32 $0xB400;
	v9 =	vld [tilespmem:s31+$0xF0];
	v13 =	vadd.f32 v18, v12;
	v12 =	vadd.f32 v19, v15  }
.LBB2_9:
0xa4: {  	v14 =	vld [tilespmem:s25+$0xC0];
	v2 =	vadd.f32 v2, v11;
	v3 =	vadd.f32 v3, v10  }
0xa5: {  	v10 =	vld [tilespmem:s25+$0xD0];
	v11 =	vadd.f32 v6, v13;
	v12 =	vadd.f32 v7, v12  }
0xa6: {  	v6 =	vld [tilespmem:s25+$0x80];
	v0 =	vadd.f32 v0, v2;
	v2 =	vadd.f32 v8, v3  }
0xa7: {  	v7 =	vld [tilespmem:s25+$0x90];
	v8 =	vadd.f32 v4, v11;
	v11 =	vadd.f32 v5, v12  }
0xa8: {  	v12 =	vld [tilespmem:s25+$0x40];
	v1 =	vadd.f32 v1, v0;
	v9 =	vadd.f32 v9, v2  }
0xa9: {  	v15 =	vld [tilespmem:s25+$0x50];
	v4 =	vmov v14  }
0xaa: {  	v13 =	vld [tilespmem:s25+$0x0];
	v5 =	vmov v10  }
0xab: {  	v10 =	vld [tilespmem:s25+$0x10]  }
0xac: {  	v14 =	vld [tilespmem:s25+$0x20]  }
0xad: {  	s23 =	sadd.s32 $0x4, s23;
	v16 =	vld [tilespmem:s25+$0x30]  }
0xae: {  	p0 =	slt.u32 s23, $0x60;
	v2 =	vld [tilespmem:s25+$0x60]  }
.Ltmp3:
0xaf: {  	v3 =	vld [tilespmem:s25+$0x70];
	(pc) =	sbr.rel @p0 .LBB2_9-.Ltmp3, $4  }
0xb0: {  	v0 =	vld [tilespmem:s25+$0xA0]  }
0xb1: {  	v13 =	vadd.f32 v13, v8;
	v17 =	vadd.f32 v10, v11;
	v8 =	vld [tilespmem:s25+$0xB0]  }
0xb2: {  	v11 =	vadd.f32 v14, v1;
	v10 =	vadd.f32 v16, v9;
	v1 =	vld [tilespmem:s25+$0xE0]  }
0xb3: {  	v13 =	vadd.f32 v12, v13;
	v12 =	vadd.f32 v15, v17;
	v9 =	vld [tilespmem:s25+$0xF0];
	s25 =	sadd.s32 $0x100, s25  }
0xb4: {  	_ = 	snop  }
0xb5: {  	v2 =	vadd.f32 v2, v11;
	v6 =	vadd.f32 v6, v13  }
0xb6: {  	v3 =	vadd.f32 v3, v10;
	s22 =	sadd.s32 $0x1, s22;
	v7 =	vadd.f32 v7, v12  }
0xb7: {  	p0 =	sne.s32 s22, $0x40;
	v0 =	vadd.f32 v0, v2;
	v61 =	vadd.f32 v4, v6  }
.Ltmp4:
0xb8: {  	v3 =	vadd.f32 v8, v3;
	v62 =	vadd.f32 v5, v7;
	(pc) =	sbr.rel @p0 .LBB2_2-.Ltmp4, $4  }
0xb9: {  	v0 =	vadd.f32 v1, v0;
	[tilespmem:s24+$0xCC40] =	vst v61  }
0xba: {  	v63 =	vadd.f32 v9, v3;
	[tilespmem:s24+$0xCC50] =	vst v62  }
0xbb: {  	[tilespmem:s24+$0xCC60] =	vst v0  }
0xbc: {  	[tilespmem:s24+$0xCC70] =	vst v63  }
0xbd: {  	s21 =	sadd.s32 $0x1, s21  }
0xbe: {  	p0 =	sne.s32 s21, s6  }
.Ltmp5:
0xbf: {  	_ = 	snop;
	(pc) =	sbr.rel @p0 .LBB2_1-.Ltmp5, $4  }
0xc0: {  	[hbm4b:s5+s2] =	stream.linear.scatter [tilespmem:s20], [sflag:$0x5], $0x2000, $0x38;
	[tilespmem:$0xEC00] =	vst v63  }
0xc1: {  	_ =	swait.ge [sflag:s7], $0x2000  }
0xc2: {  	[sflag:s7] =	ssyncset.done $0x0  }
0xc3: {  	[sflag:s7] =	ssyncadd.s32 $0xFFFFE000  }
0xc4: {  	_ =	sfence.sel $0x180000  }
0xc5: {  	[bflag:$0x0] =	sbarrier.arrive $0xFFFF  }
0xc6: {  	p0 =	sne.s32 s0, $0x0;
	_ =	strace $0x90000047  }
0xc7: {  	s0 =	sadd.s32 @!p0 $0x100000, s1;
	[bflag:$0x2] =	sbarrier.arrive $0xFFFF  }
0xc8: {  	[sflag:s0] =	ssyncadd.tile.s32 @!p0 $0x1;
	_ =	shalt  }
.Lfunc_end2:
_tile_overlayer_lowered:
.L_overlay_start_2:
0xc9: {  	(tag) =	ssettag $0x2  }
0xca: {  	s0 =	rddreg [dreg:$0x0];
	s2 =	stileid.u32  }
0xcb: {  	s1 =	rddreg [dreg:$0x1];
	p0 =	sne.s32 s2, $0x0  }
0xcc: {  	s3 =	rddreg [dreg:$0x2];
	[bflag:$0x3] =	sbarrier.arrive $0xFFFF;
	s2 =	simm.s32 @!p0 $0x1C05  }
0xcd: {  	[timem:s3], [sflag:s2] =	dma.local @!p0 [hbm:s0], s1  }
0xce: {  	s0 =	simm.s32 @!p0 $0x5  }
0xcf: {  	_ =	swait.ge @!p0 [sflag:s0], s1  }
0xd0: {  	s1 =	ssub.s32 @!p0 $0x0, s1;
	[sflag:s0] =	ssyncset.done @!p0 $0x0  }
0xd1: {  	[sflag:s0] =	ssyncadd.s32 @!p0 s1  }
0xd2: {  	[bflag:$0x3] =	sbarrier.arrive $0xFFFF  }
0xd3: {  	_ =	shalt  }

</sc_bundles>
